<compile_context>
chip_gen: v7x
topology: tpu7x:2x2x1
jax: 0.10.2.dev20260603
libtpu: 0.0.44.dev20260713+nightly
codegen_flags: <defaults>
</compile_context>

<pallas_src>
import functools

import jax
import jax.numpy as jnp
from jax import lax
from jax.experimental import pallas as pl
from jax.experimental.pallas import tpu as pltpu
from jax.experimental.pallas import tpu_sc as plsc

_B = 50000
_D = 128
_NC = 2
_NS = 16
_NW = _NC * _NS
_C = 224
_NCHUNK = 7
_BPW = _C * _NCHUNK
_TAILN = _B - (_NW - 1) * _BPW
_NFULL = _TAILN // _C
_TC = _TAILN - _NFULL * _C
_NBUF = 4
_PRIME = 2

_mesh = plsc.VectorSubcoreMesh(core_axis_name="c", subcore_axis_name="s")


@functools.partial(
    pl.kernel,
    mesh=_mesh,
    out_type=jax.ShapeDtypeStruct((_B, _D), jnp.float32),
    scratch_types=[
        pltpu.VMEM((_BPW,), jnp.int32),
        pltpu.VMEM((_NBUF, _C, _D), jnp.float32),
        pltpu.SemaphoreType.DMA,
        pltpu.SemaphoreType.DMA,
    ],
)
def _gather_sc(idx_hbm, x_hbm, out_hbm, idx_v, rows_v, gsem, wsem):
    wid = lax.axis_index("s") * _NC + lax.axis_index("c")
    base = wid * _BPW
    last = wid == _NW - 1

    @pl.when(jnp.logical_not(last))
    def _():
        pltpu.sync_copy(idx_hbm.at[pl.ds(base, _BPW)], idx_v)

    @pl.when(last)
    def _():
        pltpu.sync_copy(idx_hbm.at[pl.ds(base, _TAILN)],
                        idx_v.at[pl.ds(0, _TAILN)])

    def issue_gather(c):
        b = c % _NBUF
        if c < _NFULL:
            return pltpu.async_copy(
                x_hbm.at[idx_v.at[pl.ds(c * _C, _C)]], rows_v.at[b], gsem)

        @pl.when(jnp.logical_not(last))
        def _():
            pltpu.async_copy(
                x_hbm.at[idx_v.at[pl.ds(c * _C, _C)]], rows_v.at[b], gsem)

        if c == _NFULL:
            @pl.when(last)
            def _():
                pltpu.async_copy(
                    x_hbm.at[idx_v.at[pl.ds(c * _C, _TC)]],
                    rows_v.at[b, pl.ds(0, _TC)], gsem)
        return None

    gathers = {}
    writes = {}
    for c in range(_PRIME):
        gathers[c] = issue_gather(c)
    for c in range(_NFULL):
        g = c + _PRIME
        if g < _NCHUNK:
            wc = g - _NBUF
            if wc >= 0:
                writes[wc].wait()
            gathers[g] = issue_gather(g)
        b = c % _NBUF
        gathers[c].wait()
        writes[c] = pltpu.async_copy(
            rows_v.at[b], out_hbm.at[pl.ds(base + c * _C, _C)], wsem)

    @pl.when(jnp.logical_not(last))
    def _():
        for c in range(_NFULL, _NCHUNK):
            b = c % _NBUF
            pltpu.make_async_copy(
                x_hbm.at[idx_v.at[pl.ds(c * _C, _C)]],
                rows_v.at[b], gsem).wait()
            pltpu.async_copy(
                rows_v.at[b], out_hbm.at[pl.ds(base + c * _C, _C)], wsem)

    @pl.when(last)
    def _():
        b = _NFULL % _NBUF
        pltpu.make_async_copy(
            x_hbm.at[idx_v.at[pl.ds(_NFULL * _C, _TC)]],
            rows_v.at[b, pl.ds(0, _TC)], gsem).wait()
        pltpu.async_copy(
            rows_v.at[b, pl.ds(0, _TC)],
            out_hbm.at[pl.ds(base + _NFULL * _C, _TC)], wsem)

    for wc in range(max(0, _NCHUNK - _NBUF), _NFULL):
        writes[wc].wait()

    @pl.when(jnp.logical_not(last))
    def _():
        for c in range(_NFULL, _NCHUNK):
            b = c % _NBUF
            pltpu.make_async_copy(
                rows_v.at[b], out_hbm.at[pl.ds(base + c * _C, _C)],
                wsem).wait()

    @pl.when(last)
    def _():
        b = _NFULL % _NBUF
        pltpu.make_async_copy(
            rows_v.at[b, pl.ds(0, _TC)],
            out_hbm.at[pl.ds(base + _NFULL * _C, _TC)], wsem).wait()


def kernel(indices, x):
    return _gather_sc(jnp.reshape(indices, (_B,)), x)

# --- scband reference (transcript-rebuilt; emitter-appended) ---
"""Pipeline reference for scband-select-from-indices-36094905155935 (READ-ONLY COPY).

The authoritative reference and input builder live on the scoring server;
editing this copy changes nothing except your own understanding.
"""

import jax, jax.numpy as jnp
import numpy as np


def setup_inputs(seed: int = 0) -> dict:
    key = jax.random.key(seed)
    k1, k2 = jax.random.split(key)
    indices = jax.random.randint(k1, (50000, 1), 0, 100000, dtype=jnp.int64 if jax.config.read('jax_enable_x64') else jnp.int32).astype(jnp.int32)
    x = jax.random.normal(k2, (100000, 128), dtype=jnp.float32)
    return {"indices": indices, "x": x}


def reference(indices, x):
    # SelectFromIndices.call: inputs = [indices, x]
    # tf.gather_nd(x, indices) with indices shape [K, 1] == gather rows of x
    g = jnp.take(x, indices[:, 0], axis=0)
    out = jnp.reshape(g, (-1, 128))
    return out

if __name__ == "__main__":
    import jax
    _d = setup_inputs()
    print(jax.jit(kernel)(*tuple(_d.values())))

</pallas_src>

<mosaic_0001>
#map = affine_map<(d0, d1) -> (0)>
#map1 = affine_map<(d0, d1) -> (0, 0)>
module attributes {stable_mosaic.version = 14 : i64} {
  func.func @_gather_sc(%arg0: i32, %arg1: i32, %arg2: memref<50000xi32, #tpu.memory_space<hbm>>, %arg3: memref<100000x128xf32, #tpu.memory_space<hbm>>, %arg4: memref<50000x128xf32, #tpu.memory_space<hbm>>, %arg5: memref<1568xi32, #tpu.memory_space<vmem>>, %arg6: memref<4x224x128xf32, #tpu.memory_space<vmem>>, %arg7: memref<!tpu.dma_semaphore, #tpu.memory_space<semaphore_mem>>, %arg8: memref<!tpu.dma_semaphore, #tpu.memory_space<semaphore_mem>>) attributes {dimension_semantics = [#tpu.dimension_semantics<core_parallel>, #tpu.dimension_semantics<subcore_parallel>], iteration_bounds = array<i64: 2, 16>, scalar_prefetch = 0 : i64, scratch_operands = 4 : i64, tpu.core_type = #tpu.core_type<sc_vector_subcore>, window_params = [{transform_indices = #map}, {transform_indices = #map1}, {transform_indices = #map1}]} {
    %mul3A = arith.constant 2 : i32
    %mul3A_0 = arith.muli %arg1, %mul3A : i32
    %add3A = arith.addi %mul3A_0, %arg0 : i32
    %mul3A_1 = arith.constant 1568 : i32
    %mul3A_2 = arith.muli %add3A, %mul3A_1 : i32
    %eq3A = arith.constant 31 : i32
    %eq3A_3 = arith.cmpi eq, %add3A, %eq3A : i32
    %not3A = arith.constant true
    %not3A_4 = arith.xori %eq3A_3, %not3A : i1
    %convert_element_type3A = arith.extui %not3A_4 : i1 to i32
    %cond3A = arith.constant 0 : i32
    %cond3A_5 = arith.cmpi ne, %convert_element_type3A, %cond3A : i32
    scf.if %cond3A_5 {
      "tpu.region"() ({
        %run_scoped3A = tpu.sem_alloc : memref<!tpu.dma_semaphore, #tpu.memory_space<semaphore_mem>>
        %dma_start3A_319 = tpu.memref_slice %arg2[%mul3A_2] : memref<50000xi32, #tpu.memory_space<hbm>> -> memref<1568xi32, #tpu.memory_space<hbm>>
        %dma_start3A_320 = tpu.memref_slice %arg2[%mul3A_2] : memref<50000xi32, #tpu.memory_space<hbm>> -> memref<1568xi32, #tpu.memory_space<hbm>>
        tpu.enqueue_dma source(%dma_start3A_320 : memref<1568xi32, #tpu.memory_space<hbm>>) target(%arg5 : memref<1568xi32, #tpu.memory_space<vmem>>) target_semaphore(%run_scoped3A : memref<!tpu.dma_semaphore, #tpu.memory_space<semaphore_mem>>)
        %dma_wait3A_321 = tpu.memref_slice %arg2[%mul3A_2] : memref<50000xi32, #tpu.memory_space<hbm>> -> memref<1568xi32, #tpu.memory_space<hbm>>
        %dma_wait3A_322 = tpu.memref_slice %arg2[%mul3A_2] : memref<50000xi32, #tpu.memory_space<hbm>> -> memref<1568xi32, #tpu.memory_space<hbm>>
        tpu.wait_dma2 semaphore(%run_scoped3A : memref<!tpu.dma_semaphore, #tpu.memory_space<semaphore_mem>>) src(%dma_wait3A_322 : memref<1568xi32, #tpu.memory_space<hbm>>) dst(%arg5 : memref<1568xi32, #tpu.memory_space<vmem>>)
        tpu.yield
      }) : () -> ()
    } else {
    }
    %convert_element_type3A_6 = arith.extui %eq3A_3 : i1 to i32
    %cond3A_7 = arith.constant 0 : i32
    %cond3A_8 = arith.cmpi ne, %convert_element_type3A_6, %cond3A_7 : i32
    scf.if %cond3A_8 {
      "tpu.region"() ({
        %run_scoped3A = tpu.sem_alloc : memref<!tpu.dma_semaphore, #tpu.memory_space<semaphore_mem>>
        %dma_start3A_319 = arith.constant 0 : i32
        %dma_start3A_320 = tpu.memref_slice %arg5[%dma_start3A_319] : memref<1568xi32, #tpu.memory_space<vmem>> -> memref<1392xi32, #tpu.memory_space<vmem>>
        %dma_start3A_321 = tpu.memref_slice %arg2[%mul3A_2] : memref<50000xi32, #tpu.memory_space<hbm>> -> memref<1392xi32, #tpu.memory_space<hbm>>
        %dma_start3A_322 = arith.constant 0 : i32
        %dma_start3A_323 = tpu.memref_slice %arg5[%dma_start3A_322] : memref<1568xi32, #tpu.memory_space<vmem>> -> memref<1392xi32, #tpu.memory_space<vmem>>
        %dma_start3A_324 = tpu.memref_slice %arg2[%mul3A_2] : memref<50000xi32, #tpu.memory_space<hbm>> -> memref<1392xi32, #tpu.memory_space<hbm>>
        tpu.enqueue_dma source(%dma_start3A_324 : memref<1392xi32, #tpu.memory_space<hbm>>) target(%dma_start3A_323 : memref<1392xi32, #tpu.memory_space<vmem>>) target_semaphore(%run_scoped3A : memref<!tpu.dma_semaphore, #tpu.memory_space<semaphore_mem>>)
        %dma_wait3A_325 = arith.constant 0 : i32
        %dma_wait3A_326 = tpu.memref_slice %arg5[%dma_wait3A_325] : memref<1568xi32, #tpu.memory_space<vmem>> -> memref<1392xi32, #tpu.memory_space<vmem>>
        %dma_wait3A_327 = tpu.memref_slice %arg2[%mul3A_2] : memref<50000xi32, #tpu.memory_space<hbm>> -> memref<1392xi32, #tpu.memory_space<hbm>>
        %dma_wait3A_328 = arith.constant 0 : i32
        %dma_wait3A_329 = tpu.memref_slice %arg5[%dma_wait3A_328] : memref<1568xi32, #tpu.memory_space<vmem>> -> memref<1392xi32, #tpu.memory_space<vmem>>
        %dma_wait3A_330 = tpu.memref_slice %arg2[%mul3A_2] : memref<50000xi32, #tpu.memory_space<hbm>> -> memref<1392xi32, #tpu.memory_space<hbm>>
        tpu.wait_dma2 semaphore(%run_scoped3A : memref<!tpu.dma_semaphore, #tpu.memory_space<semaphore_mem>>) src(%dma_wait3A_330 : memref<1392xi32, #tpu.memory_space<hbm>>) dst(%dma_wait3A_329 : memref<1392xi32, #tpu.memory_space<vmem>>)
        tpu.yield
      }) : () -> ()
    } else {
    }
    %dma_start3A = arith.constant 0 : i32
    %dma_start3A_9 = arith.constant 0 : i32
    %dma_start3A_10 = arith.constant 0 : i32
    %dma_start3A_11 = tpu.memref_slice %arg6[%dma_start3A, %dma_start3A_9, %dma_start3A_10] : memref<4x224x128xf32, #tpu.memory_space<vmem>> -> memref<1x224x128xf32, #tpu.memory_space<vmem>>
    %dma_start3A_12 = tpu.memref_squeeze %dma_start3A_11 : memref<1x224x128xf32, #tpu.memory_space<vmem>> -> memref<224x128xf32, #tpu.memory_space<vmem>>
    %dma_start3A_13 = arith.constant 0 : i32
    %dma_start3A_14 = tpu.memref_slice %arg5[%dma_start3A_13] : memref<1568xi32, #tpu.memory_space<vmem>> -> memref<224xi32, #tpu.memory_space<vmem>>
    %dma_start3A_15 = arith.constant 0 : i32
    %dma_start3A_16 = arith.constant 0 : i32
    %dma_start3A_17 = tpu.memref_slice %arg3[%dma_start3A_15, %dma_start3A_16] : memref<100000x128xf32, #tpu.memory_space<hbm>> -> memref<100000x128xf32, #tpu.memory_space<hbm>>
    tpu.enqueue_indirect_dma source(%dma_start3A_17 : memref<100000x128xf32, #tpu.memory_space<hbm>>) target(%dma_start3A_12 : memref<224x128xf32, #tpu.memory_space<vmem>>) offsets(%dma_start3A_14 : memref<224xi32, #tpu.memory_space<vmem>>) semaphore(%arg7 : memref<!tpu.dma_semaphore, #tpu.memory_space<semaphore_mem>>)
    %dma_start3A_18 = arith.constant 1 : i32
    %dma_start3A_19 = arith.constant 0 : i32
    %dma_start3A_20 = arith.constant 0 : i32
    %dma_start3A_21 = tpu.memref_slice %arg6[%dma_start3A_18, %dma_start3A_19, %dma_start3A_20] : memref<4x224x128xf32, #tpu.memory_space<vmem>> -> memref<1x224x128xf32, #tpu.memory_space<vmem>>
    %dma_start3A_22 = tpu.memref_squeeze %dma_start3A_21 : memref<1x224x128xf32, #tpu.memory_space<vmem>> -> memref<224x128xf32, #tpu.memory_space<vmem>>
    %dma_start3A_23 = arith.constant 224 : i32
    %dma_start3A_24 = tpu.memref_slice %arg5[%dma_start3A_23] : memref<1568xi32, #tpu.memory_space<vmem>> -> memref<224xi32, #tpu.memory_space<vmem>>
    %dma_start3A_25 = arith.constant 0 : i32
    %dma_start3A_26 = arith.constant 0 : i32
    %dma_start3A_27 = tpu.memref_slice %arg3[%dma_start3A_25, %dma_start3A_26] : memref<100000x128xf32, #tpu.memory_space<hbm>> -> memref<100000x128xf32, #tpu.memory_space<hbm>>
    tpu.enqueue_indirect_dma source(%dma_start3A_27 : memref<100000x128xf32, #tpu.memory_space<hbm>>) target(%dma_start3A_22 : memref<224x128xf32, #tpu.memory_space<vmem>>) offsets(%dma_start3A_24 : memref<224xi32, #tpu.memory_space<vmem>>) semaphore(%arg7 : memref<!tpu.dma_semaphore, #tpu.memory_space<semaphore_mem>>)
    %dma_start3A_28 = arith.constant 2 : i32
    %dma_start3A_29 = arith.constant 0 : i32
    %dma_start3A_30 = arith.constant 0 : i32
    %dma_start3A_31 = tpu.memref_slice %arg6[%dma_start3A_28, %dma_start3A_29, %dma_start3A_30] : memref<4x224x128xf32, #tpu.memory_space<vmem>> -> memref<1x224x128xf32, #tpu.memory_space<vmem>>
    %dma_start3A_32 = tpu.memref_squeeze %dma_start3A_31 : memref<1x224x128xf32, #tpu.memory_space<vmem>> -> memref<224x128xf32, #tpu.memory_space<vmem>>
    %dma_start3A_33 = arith.constant 448 : i32
    %dma_start3A_34 = tpu.memref_slice %arg5[%dma_start3A_33] : memref<1568xi32, #tpu.memory_space<vmem>> -> memref<224xi32, #tpu.memory_space<vmem>>
    %dma_start3A_35 = arith.constant 0 : i32
    %dma_start3A_36 = arith.constant 0 : i32
    %dma_start3A_37 = tpu.memref_slice %arg3[%dma_start3A_35, %dma_start3A_36] : memref<100000x128xf32, #tpu.memory_space<hbm>> -> memref<100000x128xf32, #tpu.memory_space<hbm>>
    tpu.enqueue_indirect_dma source(%dma_start3A_37 : memref<100000x128xf32, #tpu.memory_space<hbm>>) target(%dma_start3A_32 : memref<224x128xf32, #tpu.memory_space<vmem>>) offsets(%dma_start3A_34 : memref<224xi32, #tpu.memory_space<vmem>>) semaphore(%arg7 : memref<!tpu.dma_semaphore, #tpu.memory_space<semaphore_mem>>)
    %dma_wait3A = arith.constant 0 : i32
    %dma_wait3A_38 = arith.constant 0 : i32
    %dma_wait3A_39 = arith.constant 0 : i32
    %dma_wait3A_40 = tpu.memref_slice %arg6[%dma_wait3A, %dma_wait3A_38, %dma_wait3A_39] : memref<4x224x128xf32, #tpu.memory_space<vmem>> -> memref<1x224x128xf32, #tpu.memory_space<vmem>>
    %dma_wait3A_41 = tpu.memref_squeeze %dma_wait3A_40 : memref<1x224x128xf32, #tpu.memory_space<vmem>> -> memref<224x128xf32, #tpu.memory_space<vmem>>
    %dma_wait3A_42 = arith.constant 0 : i32
    %dma_wait3A_43 = tpu.memref_slice %arg5[%dma_wait3A_42] : memref<1568xi32, #tpu.memory_space<vmem>> -> memref<224xi32, #tpu.memory_space<vmem>>
    %dma_wait3A_44 = arith.constant 0 : i32
    %dma_wait3A_45 = arith.constant 0 : i32
    %dma_wait3A_46 = tpu.memref_slice %arg3[%dma_wait3A_44, %dma_wait3A_45] : memref<100000x128xf32, #tpu.memory_space<hbm>> -> memref<100000x128xf32, #tpu.memory_space<hbm>>
    tpu.wait_indirect_dma semaphore(%arg7 : memref<!tpu.dma_semaphore, #tpu.memory_space<semaphore_mem>>) src(%dma_wait3A_46 : memref<100000x128xf32, #tpu.memory_space<hbm>>) dst(%dma_wait3A_41 : memref<224x128xf32, #tpu.memory_space<vmem>>)
    %add3A_47 = arith.constant 0 : i32
    %add3A_48 = arith.addi %mul3A_2, %add3A_47 : i32
    %dma_start3A_49 = arith.constant 0 : i32
    %dma_start3A_50 = arith.constant 0 : i32
    %dma_start3A_51 = arith.constant 0 : i32
    %dma_start3A_52 = tpu.memref_slice %arg6[%dma_start3A_49, %dma_start3A_50, %dma_start3A_51] : memref<4x224x128xf32, #tpu.memory_space<vmem>> -> memref<1x224x128xf32, #tpu.memory_space<vmem>>
    %dma_start3A_53 = tpu.memref_squeeze %dma_start3A_52 : memref<1x224x128xf32, #tpu.memory_space<vmem>> -> memref<224x128xf32, #tpu.memory_space<vmem>>
    %dma_start3A_54 = arith.constant 0 : i32
    %dma_start3A_55 = tpu.memref_slice %arg4[%add3A_48, %dma_start3A_54] : memref<50000x128xf32, #tpu.memory_space<hbm>> -> memref<224x128xf32, #tpu.memory_space<hbm>>
    %dma_start3A_56 = arith.constant 0 : i32
    %dma_start3A_57 = tpu.memref_slice %arg4[%add3A_48, %dma_start3A_56] : memref<50000x128xf32, #tpu.memory_space<hbm>> -> memref<224x128xf32, #tpu.memory_space<hbm>>
    %dma_start3A_58 = arith.constant 0 : i32
    %dma_start3A_59 = arith.constant 0 : i32
    %dma_start3A_60 = tpu.memref_slice %arg6[%dma_start3A_49, %dma_start3A_58, %dma_start3A_59] : memref<4x224x128xf32, #tpu.memory_space<vmem>> -> memref<1x224x128xf32, #tpu.memory_space<vmem>>
    %dma_start3A_61 = tpu.memref_squeeze %dma_start3A_60 : memref<1x224x128xf32, #tpu.memory_space<vmem>> -> memref<224x128xf32, #tpu.memory_space<vmem>>
    tpu.enqueue_dma source(%dma_start3A_61 : memref<224x128xf32, #tpu.memory_space<vmem>>) target(%dma_start3A_57 : memref<224x128xf32, #tpu.memory_space<hbm>>) target_semaphore(%arg8 : memref<!tpu.dma_semaphore, #tpu.memory_space<semaphore_mem>>)
    %dma_start3A_62 = arith.constant 3 : i32
    %dma_start3A_63 = arith.constant 0 : i32
    %dma_start3A_64 = arith.constant 0 : i32
    %dma_start3A_65 = tpu.memref_slice %arg6[%dma_start3A_62, %dma_start3A_63, %dma_start3A_64] : memref<4x224x128xf32, #tpu.memory_space<vmem>> -> memref<1x224x128xf32, #tpu.memory_space<vmem>>
    %dma_start3A_66 = tpu.memref_squeeze %dma_start3A_65 : memref<1x224x128xf32, #tpu.memory_space<vmem>> -> memref<224x128xf32, #tpu.memory_space<vmem>>
    %dma_start3A_67 = arith.constant 672 : i32
    %dma_start3A_68 = tpu.memref_slice %arg5[%dma_start3A_67] : memref<1568xi32, #tpu.memory_space<vmem>> -> memref<224xi32, #tpu.memory_space<vmem>>
    %dma_start3A_69 = arith.constant 0 : i32
    %dma_start3A_70 = arith.constant 0 : i32
    %dma_start3A_71 = tpu.memref_slice %arg3[%dma_start3A_69, %dma_start3A_70] : memref<100000x128xf32, #tpu.memory_space<hbm>> -> memref<100000x128xf32, #tpu.memory_space<hbm>>
    tpu.enqueue_indirect_dma source(%dma_start3A_71 : memref<100000x128xf32, #tpu.memory_space<hbm>>) target(%dma_start3A_66 : memref<224x128xf32, #tpu.memory_space<vmem>>) offsets(%dma_start3A_68 : memref<224xi32, #tpu.memory_space<vmem>>) semaphore(%arg7 : memref<!tpu.dma_semaphore, #tpu.memory_space<semaphore_mem>>)
    %dma_wait3A_72 = arith.constant 1 : i32
    %dma_wait3A_73 = arith.constant 0 : i32
    %dma_wait3A_74 = arith.constant 0 : i32
    %dma_wait3A_75 = tpu.memref_slice %arg6[%dma_wait3A_72, %dma_wait3A_73, %dma_wait3A_74] : memref<4x224x128xf32, #tpu.memory_space<vmem>> -> memref<1x224x128xf32, #tpu.memory_space<vmem>>
    %dma_wait3A_76 = tpu.memref_squeeze %dma_wait3A_75 : memref<1x224x128xf32, #tpu.memory_space<vmem>> -> memref<224x128xf32, #tpu.memory_space<vmem>>
    %dma_wait3A_77 = arith.constant 224 : i32
    %dma_wait3A_78 = tpu.memref_slice %arg5[%dma_wait3A_77] : memref<1568xi32, #tpu.memory_space<vmem>> -> memref<224xi32, #tpu.memory_space<vmem>>
    %dma_wait3A_79 = arith.constant 0 : i32
    %dma_wait3A_80 = arith.constant 0 : i32
    %dma_wait3A_81 = tpu.memref_slice %arg3[%dma_wait3A_79, %dma_wait3A_80] : memref<100000x128xf32, #tpu.memory_space<hbm>> -> memref<100000x128xf32, #tpu.memory_space<hbm>>
    tpu.wait_indirect_dma semaphore(%arg7 : memref<!tpu.dma_semaphore, #tpu.memory_space<semaphore_mem>>) src(%dma_wait3A_81 : memref<100000x128xf32, #tpu.memory_space<hbm>>) dst(%dma_wait3A_76 : memref<224x128xf32, #tpu.memory_space<vmem>>)
    %add3A_82 = arith.constant 224 : i32
    %add3A_83 = arith.addi %mul3A_2, %add3A_82 : i32
    %dma_start3A_84 = arith.constant 1 : i32
    %dma_start3A_85 = arith.constant 0 : i32
    %dma_start3A_86 = arith.constant 0 : i32
    %dma_start3A_87 = tpu.memref_slice %arg6[%dma_start3A_84, %dma_start3A_85, %dma_start3A_86] : memref<4x224x128xf32, #tpu.memory_space<vmem>> -> memref<1x224x128xf32, #tpu.memory_space<vmem>>
    %dma_start3A_88 = tpu.memref_squeeze %dma_start3A_87 : memref<1x224x128xf32, #tpu.memory_space<vmem>> -> memref<224x128xf32, #tpu.memory_space<vmem>>
    %dma_start3A_89 = arith.constant 0 : i32
    %dma_start3A_90 = tpu.memref_slice %arg4[%add3A_83, %dma_start3A_89] : memref<50000x128xf32, #tpu.memory_space<hbm>> -> memref<224x128xf32, #tpu.memory_space<hbm>>
    %dma_start3A_91 = arith.constant 0 : i32
    %dma_start3A_92 = tpu.memref_slice %arg4[%add3A_83, %dma_start3A_91] : memref<50000x128xf32, #tpu.memory_space<hbm>> -> memref<224x128xf32, #tpu.memory_space<hbm>>
    %dma_start3A_93 = arith.constant 0 : i32
    %dma_start3A_94 = arith.constant 0 : i32
    %dma_start3A_95 = tpu.memref_slice %arg6[%dma_start3A_84, %dma_start3A_93, %dma_start3A_94] : memref<4x224x128xf32, #tpu.memory_space<vmem>> -> memref<1x224x128xf32, #tpu.memory_space<vmem>>
    %dma_start3A_96 = tpu.memref_squeeze %dma_start3A_95 : memref<1x224x128xf32, #tpu.memory_space<vmem>> -> memref<224x128xf32, #tpu.memory_space<vmem>>
    tpu.enqueue_dma source(%dma_start3A_96 : memref<224x128xf32, #tpu.memory_space<vmem>>) target(%dma_start3A_92 : memref<224x128xf32, #tpu.memory_space<hbm>>) target_semaphore(%arg8 : memref<!tpu.dma_semaphore, #tpu.memory_space<semaphore_mem>>)
    %dma_wait3A_97 = arith.constant 0 : i32
    %dma_wait3A_98 = arith.constant 0 : i32
    %dma_wait3A_99 = arith.constant 0 : i32
    %dma_wait3A_100 = tpu.memref_slice %arg6[%dma_wait3A_97, %dma_wait3A_98, %dma_wait3A_99] : memref<4x224x128xf32, #tpu.memory_space<vmem>> -> memref<1x224x128xf32, #tpu.memory_space<vmem>>
    %dma_wait3A_101 = tpu.memref_squeeze %dma_wait3A_100 : memref<1x224x128xf32, #tpu.memory_space<vmem>> -> memref<224x128xf32, #tpu.memory_space<vmem>>
    %dma_wait3A_102 = arith.constant 0 : i32
    %dma_wait3A_103 = tpu.memref_slice %arg4[%add3A_48, %dma_wait3A_102] : memref<50000x128xf32, #tpu.memory_space<hbm>> -> memref<224x128xf32, #tpu.memory_space<hbm>>
    %dma_wait3A_104 = arith.constant 0 : i32
    %dma_wait3A_105 = tpu.memref_slice %arg4[%add3A_48, %dma_wait3A_104] : memref<50000x128xf32, #tpu.memory_space<hbm>> -> memref<224x128xf32, #tpu.memory_space<hbm>>
    %dma_wait3A_106 = arith.constant 0 : i32
    %dma_wait3A_107 = arith.constant 0 : i32
    %dma_wait3A_108 = tpu.memref_slice %arg6[%dma_wait3A_97, %dma_wait3A_106, %dma_wait3A_107] : memref<4x224x128xf32, #tpu.memory_space<vmem>> -> memref<1x224x128xf32, #tpu.memory_space<vmem>>
    %dma_wait3A_109 = tpu.memref_squeeze %dma_wait3A_108 : memref<1x224x128xf32, #tpu.memory_space<vmem>> -> memref<224x128xf32, #tpu.memory_space<vmem>>
    tpu.wait_dma2 semaphore(%arg8 : memref<!tpu.dma_semaphore, #tpu.memory_space<semaphore_mem>>) src(%dma_wait3A_109 : memref<224x128xf32, #tpu.memory_space<vmem>>) dst(%dma_wait3A_105 : memref<224x128xf32, #tpu.memory_space<hbm>>)
    %dma_start3A_110 = arith.constant 0 : i32
    %dma_start3A_111 = arith.constant 0 : i32
    %dma_start3A_112 = arith.constant 0 : i32
    %dma_start3A_113 = tpu.memref_slice %arg6[%dma_start3A_110, %dma_start3A_111, %dma_start3A_112] : memref<4x224x128xf32, #tpu.memory_space<vmem>> -> memref<1x224x128xf32, #tpu.memory_space<vmem>>
    %dma_start3A_114 = tpu.memref_squeeze %dma_start3A_113 : memref<1x224x128xf32, #tpu.memory_space<vmem>> -> memref<224x128xf32, #tpu.memory_space<vmem>>
    %dma_start3A_115 = arith.constant 896 : i32
    %dma_start3A_116 = tpu.memref_slice %arg5[%dma_start3A_115] : memref<1568xi32, #tpu.memory_space<vmem>> -> memref<224xi32, #tpu.memory_space<vmem>>
    %dma_start3A_117 = arith.constant 0 : i32
    %dma_start3A_118 = arith.constant 0 : i32
    %dma_start3A_119 = tpu.memref_slice %arg3[%dma_start3A_117, %dma_start3A_118] : memref<100000x128xf32, #tpu.memory_space<hbm>> -> memref<100000x128xf32, #tpu.memory_space<hbm>>
    tpu.enqueue_indirect_dma source(%dma_start3A_119 : memref<100000x128xf32, #tpu.memory_space<hbm>>) target(%dma_start3A_114 : memref<224x128xf32, #tpu.memory_space<vmem>>) offsets(%dma_start3A_116 : memref<224xi32, #tpu.memory_space<vmem>>) semaphore(%arg7 : memref<!tpu.dma_semaphore, #tpu.memory_space<semaphore_mem>>)
    %dma_wait3A_120 = arith.constant 2 : i32
    %dma_wait3A_121 = arith.constant 0 : i32
    %dma_wait3A_122 = arith.constant 0 : i32
    %dma_wait3A_123 = tpu.memref_slice %arg6[%dma_wait3A_120, %dma_wait3A_121, %dma_wait3A_122] : memref<4x224x128xf32, #tpu.memory_space<vmem>> -> memref<1x224x128xf32, #tpu.memory_space<vmem>>
    %dma_wait3A_124 = tpu.memref_squeeze %dma_wait3A_123 : memref<1x224x128xf32, #tpu.memory_space<vmem>> -> memref<224x128xf32, #tpu.memory_space<vmem>>
    %dma_wait3A_125 = arith.constant 448 : i32
    %dma_wait3A_126 = tpu.memref_slice %arg5[%dma_wait3A_125] : memref<1568xi32, #tpu.memory_space<vmem>> -> memref<224xi32, #tpu.memory_space<vmem>>
    %dma_wait3A_127 = arith.constant 0 : i32
    %dma_wait3A_128 = arith.constant 0 : i32
    %dma_wait3A_129 = tpu.memref_slice %arg3[%dma_wait3A_127, %dma_wait3A_128] : memref<100000x128xf32, #tpu.memory_space<hbm>> -> memref<100000x128xf32, #tpu.memory_space<hbm>>
    tpu.wait_indirect_dma semaphore(%arg7 : memref<!tpu.dma_semaphore, #tpu.memory_space<semaphore_mem>>) src(%dma_wait3A_129 : memref<100000x128xf32, #tpu.memory_space<hbm>>) dst(%dma_wait3A_124 : memref<224x128xf32, #tpu.memory_space<vmem>>)
    %add3A_130 = arith.constant 448 : i32
    %add3A_131 = arith.addi %mul3A_2, %add3A_130 : i32
    %dma_start3A_132 = arith.constant 2 : i32
    %dma_start3A_133 = arith.constant 0 : i32
    %dma_start3A_134 = arith.constant 0 : i32
    %dma_start3A_135 = tpu.memref_slice %arg6[%dma_start3A_132, %dma_start3A_133, %dma_start3A_134] : memref<4x224x128xf32, #tpu.memory_space<vmem>> -> memref<1x224x128xf32, #tpu.memory_space<vmem>>
    %dma_start3A_136 = tpu.memref_squeeze %dma_start3A_135 : memref<1x224x128xf32, #tpu.memory_space<vmem>> -> memref<224x128xf32, #tpu.memory_space<vmem>>
    %dma_start3A_137 = arith.constant 0 : i32
    %dma_start3A_138 = tpu.memref_slice %arg4[%add3A_131, %dma_start3A_137] : memref<50000x128xf32, #tpu.memory_space<hbm>> -> memref<224x128xf32, #tpu.memory_space<hbm>>
    %dma_start3A_139 = arith.constant 0 : i32
    %dma_start3A_140 = tpu.memref_slice %arg4[%add3A_131, %dma_start3A_139] : memref<50000x128xf32, #tpu.memory_space<hbm>> -> memref<224x128xf32, #tpu.memory_space<hbm>>
    %dma_start3A_141 = arith.constant 0 : i32
    %dma_start3A_142 = arith.constant 0 : i32
    %dma_start3A_143 = tpu.memref_slice %arg6[%dma_start3A_132, %dma_start3A_141, %dma_start3A_142] : memref<4x224x128xf32, #tpu.memory_space<vmem>> -> memref<1x224x128xf32, #tpu.memory_space<vmem>>
    %dma_start3A_144 = tpu.memref_squeeze %dma_start3A_143 : memref<1x224x128xf32, #tpu.memory_space<vmem>> -> memref<224x128xf32, #tpu.memory_space<vmem>>
    tpu.enqueue_dma source(%dma_start3A_144 : memref<224x128xf32, #tpu.memory_space<vmem>>) target(%dma_start3A_140 : memref<224x128xf32, #tpu.memory_space<hbm>>) target_semaphore(%arg8 : memref<!tpu.dma_semaphore, #tpu.memory_space<semaphore_mem>>)
    %dma_wait3A_145 = arith.constant 1 : i32
    %dma_wait3A_146 = arith.constant 0 : i32
    %dma_wait3A_147 = arith.constant 0 : i32
    %dma_wait3A_148 = tpu.memref_slice %arg6[%dma_wait3A_145, %dma_wait3A_146, %dma_wait3A_147] : memref<4x224x128xf32, #tpu.memory_space<vmem>> -> memref<1x224x128xf32, #tpu.memory_space<vmem>>
    %dma_wait3A_149 = tpu.memref_squeeze %dma_wait3A_148 : memref<1x224x128xf32, #tpu.memory_space<vmem>> -> memref<224x128xf32, #tpu.memory_space<vmem>>
    %dma_wait3A_150 = arith.constant 0 : i32
    %dma_wait3A_151 = tpu.memref_slice %arg4[%add3A_83, %dma_wait3A_150] : memref<50000x128xf32, #tpu.memory_space<hbm>> -> memref<224x128xf32, #tpu.memory_space<hbm>>
    %dma_wait3A_152 = arith.constant 0 : i32
    %dma_wait3A_153 = tpu.memref_slice %arg4[%add3A_83, %dma_wait3A_152] : memref<50000x128xf32, #tpu.memory_space<hbm>> -> memref<224x128xf32, #tpu.memory_space<hbm>>
    %dma_wait3A_154 = arith.constant 0 : i32
    %dma_wait3A_155 = arith.constant 0 : i32
    %dma_wait3A_156 = tpu.memref_slice %arg6[%dma_wait3A_145, %dma_wait3A_154, %dma_wait3A_155] : memref<4x224x128xf32, #tpu.memory_space<vmem>> -> memref<1x224x128xf32, #tpu.memory_space<vmem>>
    %dma_wait3A_157 = tpu.memref_squeeze %dma_wait3A_156 : memref<1x224x128xf32, #tpu.memory_space<vmem>> -> memref<224x128xf32, #tpu.memory_space<vmem>>
    tpu.wait_dma2 semaphore(%arg8 : memref<!tpu.dma_semaphore, #tpu.memory_space<semaphore_mem>>) src(%dma_wait3A_157 : memref<224x128xf32, #tpu.memory_space<vmem>>) dst(%dma_wait3A_153 : memref<224x128xf32, #tpu.memory_space<hbm>>)
    %dma_start3A_158 = arith.constant 1 : i32
    %dma_start3A_159 = arith.constant 0 : i32
    %dma_start3A_160 = arith.constant 0 : i32
    %dma_start3A_161 = tpu.memref_slice %arg6[%dma_start3A_158, %dma_start3A_159, %dma_start3A_160] : memref<4x224x128xf32, #tpu.memory_space<vmem>> -> memref<1x224x128xf32, #tpu.memory_space<vmem>>
    %dma_start3A_162 = tpu.memref_squeeze %dma_start3A_161 : memref<1x224x128xf32, #tpu.memory_space<vmem>> -> memref<224x128xf32, #tpu.memory_space<vmem>>
    %dma_start3A_163 = arith.constant 1120 : i32
    %dma_start3A_164 = tpu.memref_slice %arg5[%dma_start3A_163] : memref<1568xi32, #tpu.memory_space<vmem>> -> memref<224xi32, #tpu.memory_space<vmem>>
    %dma_start3A_165 = arith.constant 0 : i32
    %dma_start3A_166 = arith.constant 0 : i32
    %dma_start3A_167 = tpu.memref_slice %arg3[%dma_start3A_165, %dma_start3A_166] : memref<100000x128xf32, #tpu.memory_space<hbm>> -> memref<100000x128xf32, #tpu.memory_space<hbm>>
    tpu.enqueue_indirect_dma source(%dma_start3A_167 : memref<100000x128xf32, #tpu.memory_space<hbm>>) target(%dma_start3A_162 : memref<224x128xf32, #tpu.memory_space<vmem>>) offsets(%dma_start3A_164 : memref<224xi32, #tpu.memory_space<vmem>>) semaphore(%arg7 : memref<!tpu.dma_semaphore, #tpu.memory_space<semaphore_mem>>)
    %dma_wait3A_168 = arith.constant 3 : i32
    %dma_wait3A_169 = arith.constant 0 : i32
    %dma_wait3A_170 = arith.constant 0 : i32
    %dma_wait3A_171 = tpu.memref_slice %arg6[%dma_wait3A_168, %dma_wait3A_169, %dma_wait3A_170] : memref<4x224x128xf32, #tpu.memory_space<vmem>> -> memref<1x224x128xf32, #tpu.memory_space<vmem>>
    %dma_wait3A_172 = tpu.memref_squeeze %dma_wait3A_171 : memref<1x224x128xf32, #tpu.memory_space<vmem>> -> memref<224x128xf32, #tpu.memory_space<vmem>>
    %dma_wait3A_173 = arith.constant 672 : i32
    %dma_wait3A_174 = tpu.memref_slice %arg5[%dma_wait3A_173] : memref<1568xi32, #tpu.memory_space<vmem>> -> memref<224xi32, #tpu.memory_space<vmem>>
    %dma_wait3A_175 = arith.constant 0 : i32
    %dma_wait3A_176 = arith.constant 0 : i32
    %dma_wait3A_177 = tpu.memref_slice %arg3[%dma_wait3A_175, %dma_wait3A_176] : memref<100000x128xf32, #tpu.memory_space<hbm>> -> memref<100000x128xf32, #tpu.memory_space<hbm>>
    tpu.wait_indirect_dma semaphore(%arg7 : memref<!tpu.dma_semaphore, #tpu.memory_space<semaphore_mem>>) src(%dma_wait3A_177 : memref<100000x128xf32, #tpu.memory_space<hbm>>) dst(%dma_wait3A_172 : memref<224x128xf32, #tpu.memory_space<vmem>>)
    %add3A_178 = arith.constant 672 : i32
    %add3A_179 = arith.addi %mul3A_2, %add3A_178 : i32
    %dma_start3A_180 = arith.constant 3 : i32
    %dma_start3A_181 = arith.constant 0 : i32
    %dma_start3A_182 = arith.constant 0 : i32
    %dma_start3A_183 = tpu.memref_slice %arg6[%dma_start3A_180, %dma_start3A_181, %dma_start3A_182] : memref<4x224x128xf32, #tpu.memory_space<vmem>> -> memref<1x224x128xf32, #tpu.memory_space<vmem>>
    %dma_start3A_184 = tpu.memref_squeeze %dma_start3A_183 : memref<1x224x128xf32, #tpu.memory_space<vmem>> -> memref<224x128xf32, #tpu.memory_space<vmem>>
    %dma_start3A_185 = arith.constant 0 : i32
    %dma_start3A_186 = tpu.memref_slice %arg4[%add3A_179, %dma_start3A_185] : memref<50000x128xf32, #tpu.memory_space<hbm>> -> memref<224x128xf32, #tpu.memory_space<hbm>>
    %dma_start3A_187 = arith.constant 0 : i32
    %dma_start3A_188 = tpu.memref_slice %arg4[%add3A_179, %dma_start3A_187] : memref<50000x128xf32, #tpu.memory_space<hbm>> -> memref<224x128xf32, #tpu.memory_space<hbm>>
    %dma_start3A_189 = arith.constant 0 : i32
    %dma_start3A_190 = arith.constant 0 : i32
    %dma_start3A_191 = tpu.memref_slice %arg6[%dma_start3A_180, %dma_start3A_189, %dma_start3A_190] : memref<4x224x128xf32, #tpu.memory_space<vmem>> -> memref<1x224x128xf32, #tpu.memory_space<vmem>>
    %dma_start3A_192 = tpu.memref_squeeze %dma_start3A_191 : memref<1x224x128xf32, #tpu.memory_space<vmem>> -> memref<224x128xf32, #tpu.memory_space<vmem>>
    tpu.enqueue_dma source(%dma_start3A_192 : memref<224x128xf32, #tpu.memory_space<vmem>>) target(%dma_start3A_188 : memref<224x128xf32, #tpu.memory_space<hbm>>) target_semaphore(%arg8 : memref<!tpu.dma_semaphore, #tpu.memory_space<semaphore_mem>>)
    %dma_wait3A_193 = arith.constant 2 : i32
    %dma_wait3A_194 = arith.constant 0 : i32
    %dma_wait3A_195 = arith.constant 0 : i32
    %dma_wait3A_196 = tpu.memref_slice %arg6[%dma_wait3A_193, %dma_wait3A_194, %dma_wait3A_195] : memref<4x224x128xf32, #tpu.memory_space<vmem>> -> memref<1x224x128xf32, #tpu.memory_space<vmem>>
    %dma_wait3A_197 = tpu.memref_squeeze %dma_wait3A_196 : memref<1x224x128xf32, #tpu.memory_space<vmem>> -> memref<224x128xf32, #tpu.memory_space<vmem>>
    %dma_wait3A_198 = arith.constant 0 : i32
    %dma_wait3A_199 = tpu.memref_slice %arg4[%add3A_131, %dma_wait3A_198] : memref<50000x128xf32, #tpu.memory_space<hbm>> -> memref<224x128xf32, #tpu.memory_space<hbm>>
    %dma_wait3A_200 = arith.constant 0 : i32
    %dma_wait3A_201 = tpu.memref_slice %arg4[%add3A_131, %dma_wait3A_200] : memref<50000x128xf32, #tpu.memory_space<hbm>> -> memref<224x128xf32, #tpu.memory_space<hbm>>
    %dma_wait3A_202 = arith.constant 0 : i32
    %dma_wait3A_203 = arith.constant 0 : i32
    %dma_wait3A_204 = tpu.memref_slice %arg6[%dma_wait3A_193, %dma_wait3A_202, %dma_wait3A_203] : memref<4x224x128xf32, #tpu.memory_space<vmem>> -> memref<1x224x128xf32, #tpu.memory_space<vmem>>
    %dma_wait3A_205 = tpu.memref_squeeze %dma_wait3A_204 : memref<1x224x128xf32, #tpu.memory_space<vmem>> -> memref<224x128xf32, #tpu.memory_space<vmem>>
    tpu.wait_dma2 semaphore(%arg8 : memref<!tpu.dma_semaphore, #tpu.memory_space<semaphore_mem>>) src(%dma_wait3A_205 : memref<224x128xf32, #tpu.memory_space<vmem>>) dst(%dma_wait3A_201 : memref<224x128xf32, #tpu.memory_space<hbm>>)
    %not3A_206 = arith.constant true
    %not3A_207 = arith.xori %eq3A_3, %not3A_206 : i1
    %convert_element_type3A_208 = arith.extui %not3A_207 : i1 to i32
    %cond3A_209 = arith.constant 0 : i32
    %cond3A_210 = arith.cmpi ne, %convert_element_type3A_208, %cond3A_209 : i32
    scf.if %cond3A_210 {
      %dma_start3A_319 = arith.constant 2 : i32
      %dma_start3A_320 = arith.constant 0 : i32
      %dma_start3A_321 = arith.constant 0 : i32
      %dma_start3A_322 = tpu.memref_slice %arg6[%dma_start3A_319, %dma_start3A_320, %dma_start3A_321] : memref<4x224x128xf32, #tpu.memory_space<vmem>> -> memref<1x224x128xf32, #tpu.memory_space<vmem>>
      %dma_start3A_323 = tpu.memref_squeeze %dma_start3A_322 : memref<1x224x128xf32, #tpu.memory_space<vmem>> -> memref<224x128xf32, #tpu.memory_space<vmem>>
      %dma_start3A_324 = arith.constant 1344 : i32
      %dma_start3A_325 = tpu.memref_slice %arg5[%dma_start3A_324] : memref<1568xi32, #tpu.memory_space<vmem>> -> memref<224xi32, #tpu.memory_space<vmem>>
      %dma_start3A_326 = arith.constant 0 : i32
      %dma_start3A_327 = arith.constant 0 : i32
      %dma_start3A_328 = tpu.memref_slice %arg3[%dma_start3A_326, %dma_start3A_327] : memref<100000x128xf32, #tpu.memory_space<hbm>> -> memref<100000x128xf32, #tpu.memory_space<hbm>>
      tpu.enqueue_indirect_dma source(%dma_start3A_328 : memref<100000x128xf32, #tpu.memory_space<hbm>>) target(%dma_start3A_323 : memref<224x128xf32, #tpu.memory_space<vmem>>) offsets(%dma_start3A_325 : memref<224xi32, #tpu.memory_space<vmem>>) semaphore(%arg7 : memref<!tpu.dma_semaphore, #tpu.memory_space<semaphore_mem>>)
    } else {
    }
    %convert_element_type3A_211 = arith.extui %eq3A_3 : i1 to i32
    %cond3A_212 = arith.constant 0 : i32
    %cond3A_213 = arith.cmpi ne, %convert_element_type3A_211, %cond3A_212 : i32
    scf.if %cond3A_213 {
      %dma_start3A_319 = arith.constant 2 : i32
      %dma_start3A_320 = arith.constant 0 : i32
      %dma_start3A_321 = arith.constant 0 : i32
      %dma_start3A_322 = tpu.memref_slice %arg6[%dma_start3A_319, %dma_start3A_320, %dma_start3A_321] : memref<4x224x128xf32, #tpu.memory_space<vmem>> -> memref<1x48x128xf32, #tpu.memory_space<vmem>>
      %dma_start3A_323 = tpu.memref_squeeze %dma_start3A_322 : memref<1x48x128xf32, #tpu.memory_space<vmem>> -> memref<48x128xf32, #tpu.memory_space<vmem>>
      %dma_start3A_324 = arith.constant 1344 : i32
      %dma_start3A_325 = tpu.memref_slice %arg5[%dma_start3A_324] : memref<1568xi32, #tpu.memory_space<vmem>> -> memref<48xi32, #tpu.memory_space<vmem>>
      %dma_start3A_326 = arith.constant 0 : i32
      %dma_start3A_327 = arith.constant 0 : i32
      %dma_start3A_328 = tpu.memref_slice %arg3[%dma_start3A_326, %dma_start3A_327] : memref<100000x128xf32, #tpu.memory_space<hbm>> -> memref<100000x128xf32, #tpu.memory_space<hbm>>
      tpu.enqueue_indirect_dma source(%dma_start3A_328 : memref<100000x128xf32, #tpu.memory_space<hbm>>) target(%dma_start3A_323 : memref<48x128xf32, #tpu.memory_space<vmem>>) offsets(%dma_start3A_325 : memref<48xi32, #tpu.memory_space<vmem>>) semaphore(%arg7 : memref<!tpu.dma_semaphore, #tpu.memory_space<semaphore_mem>>)
    } else {
    }
    %dma_wait3A_214 = arith.constant 0 : i32
    %dma_wait3A_215 = arith.constant 0 : i32
    %dma_wait3A_216 = arith.constant 0 : i32
    %dma_wait3A_217 = tpu.memref_slice %arg6[%dma_wait3A_214, %dma_wait3A_215, %dma_wait3A_216] : memref<4x224x128xf32, #tpu.memory_space<vmem>> -> memref<1x224x128xf32, #tpu.memory_space<vmem>>
    %dma_wait3A_218 = tpu.memref_squeeze %dma_wait3A_217 : memref<1x224x128xf32, #tpu.memory_space<vmem>> -> memref<224x128xf32, #tpu.memory_space<vmem>>
    %dma_wait3A_219 = arith.constant 896 : i32
    %dma_wait3A_220 = tpu.memref_slice %arg5[%dma_wait3A_219] : memref<1568xi32, #tpu.memory_space<vmem>> -> memref<224xi32, #tpu.memory_space<vmem>>
    %dma_wait3A_221 = arith.constant 0 : i32
    %dma_wait3A_222 = arith.constant 0 : i32
    %dma_wait3A_223 = tpu.memref_slice %arg3[%dma_wait3A_221, %dma_wait3A_222] : memref<100000x128xf32, #tpu.memory_space<hbm>> -> memref<100000x128xf32, #tpu.memory_space<hbm>>
    tpu.wait_indirect_dma semaphore(%arg7 : memref<!tpu.dma_semaphore, #tpu.memory_space<semaphore_mem>>) src(%dma_wait3A_223 : memref<100000x128xf32, #tpu.memory_space<hbm>>) dst(%dma_wait3A_218 : memref<224x128xf32, #tpu.memory_space<vmem>>)
    %add3A_224 = arith.constant 896 : i32
    %add3A_225 = arith.addi %mul3A_2, %add3A_224 : i32
    %dma_start3A_226 = arith.constant 0 : i32
    %dma_start3A_227 = arith.constant 0 : i32
    %dma_start3A_228 = arith.constant 0 : i32
    %dma_start3A_229 = tpu.memref_slice %arg6[%dma_start3A_226, %dma_start3A_227, %dma_start3A_228] : memref<4x224x128xf32, #tpu.memory_space<vmem>> -> memref<1x224x128xf32, #tpu.memory_space<vmem>>
    %dma_start3A_230 = tpu.memref_squeeze %dma_start3A_229 : memref<1x224x128xf32, #tpu.memory_space<vmem>> -> memref<224x128xf32, #tpu.memory_space<vmem>>
    %dma_start3A_231 = arith.constant 0 : i32
    %dma_start3A_232 = tpu.memref_slice %arg4[%add3A_225, %dma_start3A_231] : memref<50000x128xf32, #tpu.memory_space<hbm>> -> memref<224x128xf32, #tpu.memory_space<hbm>>
    %dma_start3A_233 = arith.constant 0 : i32
    %dma_start3A_234 = tpu.memref_slice %arg4[%add3A_225, %dma_start3A_233] : memref<50000x128xf32, #tpu.memory_space<hbm>> -> memref<224x128xf32, #tpu.memory_space<hbm>>
    %dma_start3A_235 = arith.constant 0 : i32
    %dma_start3A_236 = arith.constant 0 : i32
    %dma_start3A_237 = tpu.memref_slice %arg6[%dma_start3A_226, %dma_start3A_235, %dma_start3A_236] : memref<4x224x128xf32, #tpu.memory_space<vmem>> -> memref<1x224x128xf32, #tpu.memory_space<vmem>>
    %dma_start3A_238 = tpu.memref_squeeze %dma_start3A_237 : memref<1x224x128xf32, #tpu.memory_space<vmem>> -> memref<224x128xf32, #tpu.memory_space<vmem>>
    tpu.enqueue_dma source(%dma_start3A_238 : memref<224x128xf32, #tpu.memory_space<vmem>>) target(%dma_start3A_234 : memref<224x128xf32, #tpu.memory_space<hbm>>) target_semaphore(%arg8 : memref<!tpu.dma_semaphore, #tpu.memory_space<semaphore_mem>>)
    %dma_wait3A_239 = arith.constant 1 : i32
    %dma_wait3A_240 = arith.constant 0 : i32
    %dma_wait3A_241 = arith.constant 0 : i32
    %dma_wait3A_242 = tpu.memref_slice %arg6[%dma_wait3A_239, %dma_wait3A_240, %dma_wait3A_241] : memref<4x224x128xf32, #tpu.memory_space<vmem>> -> memref<1x224x128xf32, #tpu.memory_space<vmem>>
    %dma_wait3A_243 = tpu.memref_squeeze %dma_wait3A_242 : memref<1x224x128xf32, #tpu.memory_space<vmem>> -> memref<224x128xf32, #tpu.memory_space<vmem>>
    %dma_wait3A_244 = arith.constant 1120 : i32
    %dma_wait3A_245 = tpu.memref_slice %arg5[%dma_wait3A_244] : memref<1568xi32, #tpu.memory_space<vmem>> -> memref<224xi32, #tpu.memory_space<vmem>>
    %dma_wait3A_246 = arith.constant 0 : i32
    %dma_wait3A_247 = arith.constant 0 : i32
    %dma_wait3A_248 = tpu.memref_slice %arg3[%dma_wait3A_246, %dma_wait3A_247] : memref<100000x128xf32, #tpu.memory_space<hbm>> -> memref<100000x128xf32, #tpu.memory_space<hbm>>
    tpu.wait_indirect_dma semaphore(%arg7 : memref<!tpu.dma_semaphore, #tpu.memory_space<semaphore_mem>>) src(%dma_wait3A_248 : memref<100000x128xf32, #tpu.memory_space<hbm>>) dst(%dma_wait3A_243 : memref<224x128xf32, #tpu.memory_space<vmem>>)
    %add3A_249 = arith.constant 1120 : i32
    %add3A_250 = arith.addi %mul3A_2, %add3A_249 : i32
    %dma_start3A_251 = arith.constant 1 : i32
    %dma_start3A_252 = arith.constant 0 : i32
    %dma_start3A_253 = arith.constant 0 : i32
    %dma_start3A_254 = tpu.memref_slice %arg6[%dma_start3A_251, %dma_start3A_252, %dma_start3A_253] : memref<4x224x128xf32, #tpu.memory_space<vmem>> -> memref<1x224x128xf32, #tpu.memory_space<vmem>>
    %dma_start3A_255 = tpu.memref_squeeze %dma_start3A_254 : memref<1x224x128xf32, #tpu.memory_space<vmem>> -> memref<224x128xf32, #tpu.memory_space<vmem>>
    %dma_start3A_256 = arith.constant 0 : i32
    %dma_start3A_257 = tpu.memref_slice %arg4[%add3A_250, %dma_start3A_256] : memref<50000x128xf32, #tpu.memory_space<hbm>> -> memref<224x128xf32, #tpu.memory_space<hbm>>
    %dma_start3A_258 = arith.constant 0 : i32
    %dma_start3A_259 = tpu.memref_slice %arg4[%add3A_250, %dma_start3A_258] : memref<50000x128xf32, #tpu.memory_space<hbm>> -> memref<224x128xf32, #tpu.memory_space<hbm>>
    %dma_start3A_260 = arith.constant 0 : i32
    %dma_start3A_261 = arith.constant 0 : i32
    %dma_start3A_262 = tpu.memref_slice %arg6[%dma_start3A_251, %dma_start3A_260, %dma_start3A_261] : memref<4x224x128xf32, #tpu.memory_space<vmem>> -> memref<1x224x128xf32, #tpu.memory_space<vmem>>
    %dma_start3A_263 = tpu.memref_squeeze %dma_start3A_262 : memref<1x224x128xf32, #tpu.memory_space<vmem>> -> memref<224x128xf32, #tpu.memory_space<vmem>>
    tpu.enqueue_dma source(%dma_start3A_263 : memref<224x128xf32, #tpu.memory_space<vmem>>) target(%dma_start3A_259 : memref<224x128xf32, #tpu.memory_space<hbm>>) target_semaphore(%arg8 : memref<!tpu.dma_semaphore, #tpu.memory_space<semaphore_mem>>)
    %not3A_264 = arith.constant true
    %not3A_265 = arith.xori %eq3A_3, %not3A_264 : i1
    %convert_element_type3A_266 = arith.extui %not3A_265 : i1 to i32
    %cond3A_267 = arith.constant 0 : i32
    %cond3A_268 = arith.cmpi ne, %convert_element_type3A_266, %cond3A_267 : i32
    scf.if %cond3A_268 {
      %dma_wait3A_319 = arith.constant 2 : i32
      %dma_wait3A_320 = arith.constant 0 : i32
      %dma_wait3A_321 = arith.constant 0 : i32
      %dma_wait3A_322 = tpu.memref_slice %arg6[%dma_wait3A_319, %dma_wait3A_320, %dma_wait3A_321] : memref<4x224x128xf32, #tpu.memory_space<vmem>> -> memref<1x224x128xf32, #tpu.memory_space<vmem>>
      %dma_wait3A_323 = tpu.memref_squeeze %dma_wait3A_322 : memref<1x224x128xf32, #tpu.memory_space<vmem>> -> memref<224x128xf32, #tpu.memory_space<vmem>>
      %dma_wait3A_324 = arith.constant 1344 : i32
      %dma_wait3A_325 = tpu.memref_slice %arg5[%dma_wait3A_324] : memref<1568xi32, #tpu.memory_space<vmem>> -> memref<224xi32, #tpu.memory_space<vmem>>
      %dma_wait3A_326 = arith.constant 0 : i32
      %dma_wait3A_327 = arith.constant 0 : i32
      %dma_wait3A_328 = tpu.memref_slice %arg3[%dma_wait3A_326, %dma_wait3A_327] : memref<100000x128xf32, #tpu.memory_space<hbm>> -> memref<100000x128xf32, #tpu.memory_space<hbm>>
      tpu.wait_indirect_dma semaphore(%arg7 : memref<!tpu.dma_semaphore, #tpu.memory_space<semaphore_mem>>) src(%dma_wait3A_328 : memref<100000x128xf32, #tpu.memory_space<hbm>>) dst(%dma_wait3A_323 : memref<224x128xf32, #tpu.memory_space<vmem>>)
      %add3A_329 = arith.constant 1344 : i32
      %add3A_330 = arith.addi %mul3A_2, %add3A_329 : i32
      %dma_start3A_331 = arith.constant 2 : i32
      %dma_start3A_332 = arith.constant 0 : i32
      %dma_start3A_333 = arith.constant 0 : i32
      %dma_start3A_334 = tpu.memref_slice %arg6[%dma_start3A_331, %dma_start3A_332, %dma_start3A_333] : memref<4x224x128xf32, #tpu.memory_space<vmem>> -> memref<1x224x128xf32, #tpu.memory_space<vmem>>
      %dma_start3A_335 = tpu.memref_squeeze %dma_start3A_334 : memref<1x224x128xf32, #tpu.memory_space<vmem>> -> memref<224x128xf32, #tpu.memory_space<vmem>>
      %dma_start3A_336 = arith.constant 0 : i32
      %dma_start3A_337 = tpu.memref_slice %arg4[%add3A_330, %dma_start3A_336] : memref<50000x128xf32, #tpu.memory_space<hbm>> -> memref<224x128xf32, #tpu.memory_space<hbm>>
      %dma_start3A_338 = arith.constant 0 : i32
      %dma_start3A_339 = tpu.memref_slice %arg4[%add3A_330, %dma_start3A_338] : memref<50000x128xf32, #tpu.memory_space<hbm>> -> memref<224x128xf32, #tpu.memory_space<hbm>>
      %dma_start3A_340 = arith.constant 0 : i32
      %dma_start3A_341 = arith.constant 0 : i32
      %dma_start3A_342 = tpu.memref_slice %arg6[%dma_start3A_331, %dma_start3A_340, %dma_start3A_341] : memref<4x224x128xf32, #tpu.memory_space<vmem>> -> memref<1x224x128xf32, #tpu.memory_space<vmem>>
      %dma_start3A_343 = tpu.memref_squeeze %dma_start3A_342 : memref<1x224x128xf32, #tpu.memory_space<vmem>> -> memref<224x128xf32, #tpu.memory_space<vmem>>
      tpu.enqueue_dma source(%dma_start3A_343 : memref<224x128xf32, #tpu.memory_space<vmem>>) target(%dma_start3A_339 : memref<224x128xf32, #tpu.memory_space<hbm>>) target_semaphore(%arg8 : memref<!tpu.dma_semaphore, #tpu.memory_space<semaphore_mem>>)
    } else {
    }
    %convert_element_type3A_269 = arith.extui %eq3A_3 : i1 to i32
    %cond3A_270 = arith.constant 0 : i32
    %cond3A_271 = arith.cmpi ne, %convert_element_type3A_269, %cond3A_270 : i32
    scf.if %cond3A_271 {
      %dma_wait3A_319 = arith.constant 2 : i32
      %dma_wait3A_320 = arith.constant 0 : i32
      %dma_wait3A_321 = arith.constant 0 : i32
      %dma_wait3A_322 = tpu.memref_slice %arg6[%dma_wait3A_319, %dma_wait3A_320, %dma_wait3A_321] : memref<4x224x128xf32, #tpu.memory_space<vmem>> -> memref<1x48x128xf32, #tpu.memory_space<vmem>>
      %dma_wait3A_323 = tpu.memref_squeeze %dma_wait3A_322 : memref<1x48x128xf32, #tpu.memory_space<vmem>> -> memref<48x128xf32, #tpu.memory_space<vmem>>
      %dma_wait3A_324 = arith.constant 1344 : i32
      %dma_wait3A_325 = tpu.memref_slice %arg5[%dma_wait3A_324] : memref<1568xi32, #tpu.memory_space<vmem>> -> memref<48xi32, #tpu.memory_space<vmem>>
      %dma_wait3A_326 = arith.constant 0 : i32
      %dma_wait3A_327 = arith.constant 0 : i32
      %dma_wait3A_328 = tpu.memref_slice %arg3[%dma_wait3A_326, %dma_wait3A_327] : memref<100000x128xf32, #tpu.memory_space<hbm>> -> memref<100000x128xf32, #tpu.memory_space<hbm>>
      tpu.wait_indirect_dma semaphore(%arg7 : memref<!tpu.dma_semaphore, #tpu.memory_space<semaphore_mem>>) src(%dma_wait3A_328 : memref<100000x128xf32, #tpu.memory_space<hbm>>) dst(%dma_wait3A_323 : memref<48x128xf32, #tpu.memory_space<vmem>>)
      %add3A_329 = arith.constant 1344 : i32
      %add3A_330 = arith.addi %mul3A_2, %add3A_329 : i32
      %dma_start3A_331 = arith.constant 2 : i32
      %dma_start3A_332 = arith.constant 0 : i32
      %dma_start3A_333 = arith.constant 0 : i32
      %dma_start3A_334 = tpu.memref_slice %arg6[%dma_start3A_331, %dma_start3A_332, %dma_start3A_333] : memref<4x224x128xf32, #tpu.memory_space<vmem>> -> memref<1x48x128xf32, #tpu.memory_space<vmem>>
      %dma_start3A_335 = tpu.memref_squeeze %dma_start3A_334 : memref<1x48x128xf32, #tpu.memory_space<vmem>> -> memref<48x128xf32, #tpu.memory_space<vmem>>
      %dma_start3A_336 = arith.constant 0 : i32
      %dma_start3A_337 = tpu.memref_slice %arg4[%add3A_330, %dma_start3A_336] : memref<50000x128xf32, #tpu.memory_space<hbm>> -> memref<48x128xf32, #tpu.memory_space<hbm>>
      %dma_start3A_338 = arith.constant 0 : i32
      %dma_start3A_339 = tpu.memref_slice %arg4[%add3A_330, %dma_start3A_338] : memref<50000x128xf32, #tpu.memory_space<hbm>> -> memref<48x128xf32, #tpu.memory_space<hbm>>
      %dma_start3A_340 = arith.constant 0 : i32
      %dma_start3A_341 = arith.constant 0 : i32
      %dma_start3A_342 = tpu.memref_slice %arg6[%dma_start3A_331, %dma_start3A_340, %dma_start3A_341] : memref<4x224x128xf32, #tpu.memory_space<vmem>> -> memref<1x48x128xf32, #tpu.memory_space<vmem>>
      %dma_start3A_343 = tpu.memref_squeeze %dma_start3A_342 : memref<1x48x128xf32, #tpu.memory_space<vmem>> -> memref<48x128xf32, #tpu.memory_space<vmem>>
      tpu.enqueue_dma source(%dma_start3A_343 : memref<48x128xf32, #tpu.memory_space<vmem>>) target(%dma_start3A_339 : memref<48x128xf32, #tpu.memory_space<hbm>>) target_semaphore(%arg8 : memref<!tpu.dma_semaphore, #tpu.memory_space<semaphore_mem>>)
    } else {
    }
    %dma_wait3A_272 = arith.constant 3 : i32
    %dma_wait3A_273 = arith.constant 0 : i32
    %dma_wait3A_274 = arith.constant 0 : i32
    %dma_wait3A_275 = tpu.memref_slice %arg6[%dma_wait3A_272, %dma_wait3A_273, %dma_wait3A_274] : memref<4x224x128xf32, #tpu.memory_space<vmem>> -> memref<1x224x128xf32, #tpu.memory_space<vmem>>
    %dma_wait3A_276 = tpu.memref_squeeze %dma_wait3A_275 : memref<1x224x128xf32, #tpu.memory_space<vmem>> -> memref<224x128xf32, #tpu.memory_space<vmem>>
    %dma_wait3A_277 = arith.constant 0 : i32
    %dma_wait3A_278 = tpu.memref_slice %arg4[%add3A_179, %dma_wait3A_277] : memref<50000x128xf32, #tpu.memory_space<hbm>> -> memref<224x128xf32, #tpu.memory_space<hbm>>
    %dma_wait3A_279 = arith.constant 0 : i32
    %dma_wait3A_280 = tpu.memref_slice %arg4[%add3A_179, %dma_wait3A_279] : memref<50000x128xf32, #tpu.memory_space<hbm>> -> memref<224x128xf32, #tpu.memory_space<hbm>>
    %dma_wait3A_281 = arith.constant 0 : i32
    %dma_wait3A_282 = arith.constant 0 : i32
    %dma_wait3A_283 = tpu.memref_slice %arg6[%dma_wait3A_272, %dma_wait3A_281, %dma_wait3A_282] : memref<4x224x128xf32, #tpu.memory_space<vmem>> -> memref<1x224x128xf32, #tpu.memory_space<vmem>>
    %dma_wait3A_284 = tpu.memref_squeeze %dma_wait3A_283 : memref<1x224x128xf32, #tpu.memory_space<vmem>> -> memref<224x128xf32, #tpu.memory_space<vmem>>
    tpu.wait_dma2 semaphore(%arg8 : memref<!tpu.dma_semaphore, #tpu.memory_space<semaphore_mem>>) src(%dma_wait3A_284 : memref<224x128xf32, #tpu.memory_space<vmem>>) dst(%dma_wait3A_280 : memref<224x128xf32, #tpu.memory_space<hbm>>)
    %dma_wait3A_285 = arith.constant 0 : i32
    %dma_wait3A_286 = arith.constant 0 : i32
    %dma_wait3A_287 = arith.constant 0 : i32
    %dma_wait3A_288 = tpu.memref_slice %arg6[%dma_wait3A_285, %dma_wait3A_286, %dma_wait3A_287] : memref<4x224x128xf32, #tpu.memory_space<vmem>> -> memref<1x224x128xf32, #tpu.memory_space<vmem>>
    %dma_wait3A_289 = tpu.memref_squeeze %dma_wait3A_288 : memref<1x224x128xf32, #tpu.memory_space<vmem>> -> memref<224x128xf32, #tpu.memory_space<vmem>>
    %dma_wait3A_290 = arith.constant 0 : i32
    %dma_wait3A_291 = tpu.memref_slice %arg4[%add3A_225, %dma_wait3A_290] : memref<50000x128xf32, #tpu.memory_space<hbm>> -> memref<224x128xf32, #tpu.memory_space<hbm>>
    %dma_wait3A_292 = arith.constant 0 : i32
    %dma_wait3A_293 = tpu.memref_slice %arg4[%add3A_225, %dma_wait3A_292] : memref<50000x128xf32, #tpu.memory_space<hbm>> -> memref<224x128xf32, #tpu.memory_space<hbm>>
    %dma_wait3A_294 = arith.constant 0 : i32
    %dma_wait3A_295 = arith.constant 0 : i32
    %dma_wait3A_296 = tpu.memref_slice %arg6[%dma_wait3A_285, %dma_wait3A_294, %dma_wait3A_295] : memref<4x224x128xf32, #tpu.memory_space<vmem>> -> memref<1x224x128xf32, #tpu.memory_space<vmem>>
    %dma_wait3A_297 = tpu.memref_squeeze %dma_wait3A_296 : memref<1x224x128xf32, #tpu.memory_space<vmem>> -> memref<224x128xf32, #tpu.memory_space<vmem>>
    tpu.wait_dma2 semaphore(%arg8 : memref<!tpu.dma_semaphore, #tpu.memory_space<semaphore_mem>>) src(%dma_wait3A_297 : memref<224x128xf32, #tpu.memory_space<vmem>>) dst(%dma_wait3A_293 : memref<224x128xf32, #tpu.memory_space<hbm>>)
    %dma_wait3A_298 = arith.constant 1 : i32
    %dma_wait3A_299 = arith.constant 0 : i32
    %dma_wait3A_300 = arith.constant 0 : i32
    %dma_wait3A_301 = tpu.memref_slice %arg6[%dma_wait3A_298, %dma_wait3A_299, %dma_wait3A_300] : memref<4x224x128xf32, #tpu.memory_space<vmem>> -> memref<1x224x128xf32, #tpu.memory_space<vmem>>
    %dma_wait3A_302 = tpu.memref_squeeze %dma_wait3A_301 : memref<1x224x128xf32, #tpu.memory_space<vmem>> -> memref<224x128xf32, #tpu.memory_space<vmem>>
    %dma_wait3A_303 = arith.constant 0 : i32
    %dma_wait3A_304 = tpu.memref_slice %arg4[%add3A_250, %dma_wait3A_303] : memref<50000x128xf32, #tpu.memory_space<hbm>> -> memref<224x128xf32, #tpu.memory_space<hbm>>
    %dma_wait3A_305 = arith.constant 0 : i32
    %dma_wait3A_306 = tpu.memref_slice %arg4[%add3A_250, %dma_wait3A_305] : memref<50000x128xf32, #tpu.memory_space<hbm>> -> memref<224x128xf32, #tpu.memory_space<hbm>>
    %dma_wait3A_307 = arith.constant 0 : i32
    %dma_wait3A_308 = arith.constant 0 : i32
    %dma_wait3A_309 = tpu.memref_slice %arg6[%dma_wait3A_298, %dma_wait3A_307, %dma_wait3A_308] : memref<4x224x128xf32, #tpu.memory_space<vmem>> -> memref<1x224x128xf32, #tpu.memory_space<vmem>>
    %dma_wait3A_310 = tpu.memref_squeeze %dma_wait3A_309 : memref<1x224x128xf32, #tpu.memory_space<vmem>> -> memref<224x128xf32, #tpu.memory_space<vmem>>
    tpu.wait_dma2 semaphore(%arg8 : memref<!tpu.dma_semaphore, #tpu.memory_space<semaphore_mem>>) src(%dma_wait3A_310 : memref<224x128xf32, #tpu.memory_space<vmem>>) dst(%dma_wait3A_306 : memref<224x128xf32, #tpu.memory_space<hbm>>)
    %not3A_311 = arith.constant true
    %not3A_312 = arith.xori %eq3A_3, %not3A_311 : i1
    %convert_element_type3A_313 = arith.extui %not3A_312 : i1 to i32
    %cond3A_314 = arith.constant 0 : i32
    %cond3A_315 = arith.cmpi ne, %convert_element_type3A_313, %cond3A_314 : i32
    scf.if %cond3A_315 {
      %add3A_319 = arith.constant 1344 : i32
      %add3A_320 = arith.addi %mul3A_2, %add3A_319 : i32
      %dma_wait3A_321 = arith.constant 2 : i32
      %dma_wait3A_322 = arith.constant 0 : i32
      %dma_wait3A_323 = arith.constant 0 : i32
      %dma_wait3A_324 = tpu.memref_slice %arg6[%dma_wait3A_321, %dma_wait3A_322, %dma_wait3A_323] : memref<4x224x128xf32, #tpu.memory_space<vmem>> -> memref<1x224x128xf32, #tpu.memory_space<vmem>>
      %dma_wait3A_325 = tpu.memref_squeeze %dma_wait3A_324 : memref<1x224x128xf32, #tpu.memory_space<vmem>> -> memref<224x128xf32, #tpu.memory_space<vmem>>
      %dma_wait3A_326 = arith.constant 0 : i32
      %dma_wait3A_327 = tpu.memref_slice %arg4[%add3A_320, %dma_wait3A_326] : memref<50000x128xf32, #tpu.memory_space<hbm>> -> memref<224x128xf32, #tpu.memory_space<hbm>>
      %dma_wait3A_328 = arith.constant 0 : i32
      %dma_wait3A_329 = tpu.memref_slice %arg4[%add3A_320, %dma_wait3A_328] : memref<50000x128xf32, #tpu.memory_space<hbm>> -> memref<224x128xf32, #tpu.memory_space<hbm>>
      %dma_wait3A_330 = arith.constant 0 : i32
      %dma_wait3A_331 = arith.constant 0 : i32
      %dma_wait3A_332 = tpu.memref_slice %arg6[%dma_wait3A_321, %dma_wait3A_330, %dma_wait3A_331] : memref<4x224x128xf32, #tpu.memory_space<vmem>> -> memref<1x224x128xf32, #tpu.memory_space<vmem>>
      %dma_wait3A_333 = tpu.memref_squeeze %dma_wait3A_332 : memref<1x224x128xf32, #tpu.memory_space<vmem>> -> memref<224x128xf32, #tpu.memory_space<vmem>>
      tpu.wait_dma2 semaphore(%arg8 : memref<!tpu.dma_semaphore, #tpu.memory_space<semaphore_mem>>) src(%dma_wait3A_333 : memref<224x128xf32, #tpu.memory_space<vmem>>) dst(%dma_wait3A_329 : memref<224x128xf32, #tpu.memory_space<hbm>>)
    } else {
    }
    %convert_element_type3A_316 = arith.extui %eq3A_3 : i1 to i32
    %cond3A_317 = arith.constant 0 : i32
    %cond3A_318 = arith.cmpi ne, %convert_element_type3A_316, %cond3A_317 : i32
    scf.if %cond3A_318 {
      %add3A_319 = arith.constant 1344 : i32
      %add3A_320 = arith.addi %mul3A_2, %add3A_319 : i32
      %dma_wait3A_321 = arith.constant 2 : i32
      %dma_wait3A_322 = arith.constant 0 : i32
      %dma_wait3A_323 = arith.constant 0 : i32
      %dma_wait3A_324 = tpu.memref_slice %arg6[%dma_wait3A_321, %dma_wait3A_322, %dma_wait3A_323] : memref<4x224x128xf32, #tpu.memory_space<vmem>> -> memref<1x48x128xf32, #tpu.memory_space<vmem>>
      %dma_wait3A_325 = tpu.memref_squeeze %dma_wait3A_324 : memref<1x48x128xf32, #tpu.memory_space<vmem>> -> memref<48x128xf32, #tpu.memory_space<vmem>>
      %dma_wait3A_326 = arith.constant 0 : i32
      %dma_wait3A_327 = tpu.memref_slice %arg4[%add3A_320, %dma_wait3A_326] : memref<50000x128xf32, #tpu.memory_space<hbm>> -> memref<48x128xf32, #tpu.memory_space<hbm>>
      %dma_wait3A_328 = arith.constant 0 : i32
      %dma_wait3A_329 = tpu.memref_slice %arg4[%add3A_320, %dma_wait3A_328] : memref<50000x128xf32, #tpu.memory_space<hbm>> -> memref<48x128xf32, #tpu.memory_space<hbm>>
      %dma_wait3A_330 = arith.constant 0 : i32
      %dma_wait3A_331 = arith.constant 0 : i32
      %dma_wait3A_332 = tpu.memref_slice %arg6[%dma_wait3A_321, %dma_wait3A_330, %dma_wait3A_331] : memref<4x224x128xf32, #tpu.memory_space<vmem>> -> memref<1x48x128xf32, #tpu.memory_space<vmem>>
      %dma_wait3A_333 = tpu.memref_squeeze %dma_wait3A_332 : memref<1x48x128xf32, #tpu.memory_space<vmem>> -> memref<48x128xf32, #tpu.memory_space<vmem>>
      tpu.wait_dma2 semaphore(%arg8 : memref<!tpu.dma_semaphore, #tpu.memory_space<semaphore_mem>>) src(%dma_wait3A_333 : memref<48x128xf32, #tpu.memory_space<vmem>>) dst(%dma_wait3A_329 : memref<48x128xf32, #tpu.memory_space<hbm>>)
    } else {
    }
    return
  }
}

</mosaic_0001>

<sc_bundles>
// kernel: kernel.3.cloned.1.call-start
scs
__scs_entry_jumppad:
0x0: {  	(pc) =	sbr.rel $0x88, $3  }
0x1: {  	(tag) =	ssettag $0x0;
	lr =	simm.s32 $0x1  }
0x2: {  	[smem:$0x3F9F] =	sst lr;
	_ =	strace $0xD0000000  }
0x3: {  	_ = 	snop  }
0x4: {  	_ = 	snop  }
0x5: {  	_ = 	snop  }
0x6: {  	_ = 	snop  }
0x7: {  	_ = 	snop  }
__scs_overlays_trampoline_lowered:
0x8: {  	[smem:$0x3FAE] =	sst s0  }
0x9: {  	[smem:$0x3FAF] =	sst s1  }
0xa: {  	[smem:$0x3FB0] =	sst s2  }
0xb: {  	[smem:$0x3FB1] =	sst s3  }
0xc: {  	[smem:$0x3FB2] =	sst s4  }
0xd: {  	[smem:$0x3FB3] =	sst s5  }
0xe: {  	[smem:$0x3FB4] =	sst s6  }
0xf: {  	[smem:$0x3FB5] =	sst s7  }
0x10: {  	[smem:$0x3FB6] =	sst s8  }
0x11: {  	[smem:$0x3FB7] =	sst s9;
	s0 =	simm.s32 @!p0 $0x0  }
0x12: {  	s1 =	sld [smem:$0x3F9D];
	s0 =	simm.s32 @p0 $0x1  }
0x13: {  	[smem:$0x3FB8] =	sst s0;
	s0 =	simm.s32 @!p1 $0x0  }
0x14: {  	s2 =	sld [smem:$0x3F9C];
	s0 =	simm.s32 @p1 $0x1  }
0x15: {  	[smem:$0x3FB9] =	sst s0;
	s0 =	simm.s32 @!p2 $0x0  }
0x16: {  	s3 =	sld [smem:$0x3FDB];
	s0 =	simm.s32 @p2 $0x1  }
0x17: {  	s4 =	simm.s32 $0x1BF5;
	[smem:$0x3FBB] =	sst s0  }
0x18: {  	s0 =	sld [smem:$0x3F9E];
	_ =	swait.ge [sflag:s4], $0x0  }
0x19: {  	s7 =	sld [smem:$0x3F9F]  }
0x1a: {  	s8 =	sadd.s32 $0xFFFFE003, lr  }
0x1b: {  	s9 =	sadd.s32 $0xFFFFFEF7, lr;
	s5 =	simm.s32 $0xFFFFFFFF;
	p2 =	slt.u32 s8, $0xFFFFF086  }
0x1c: {  	p1 =	slt.u32 s9, $0xF7A;
	s5 =	simm.s32 @!p2 $0x0  }
0x1d: {  	s5 =	simm.s32 @p1 $0x1;
	p0 =	seq.s32 s7, s2  }
0x1e: {  	s7 =	smul.u32 @!p0 $0xF7A, s2;
	p2 =	seq.s32 @!p0 s5, $0x0  }
0x1f: {  	s9 =	smul.u32 $0xF7A, s1;
	s8 =	simm.s32 @!p0 $0x1BF5;
	p2 =	por !p2, p0  }
0x20: {  	[sflag:s8] =	ssyncset.s32 @!p0 $0xFFFFF086;
	s6 =	sadd.s32 @!p0 s3, s7;
	s7 =	simm.s32 @!p0 $0x108  }
0x21: {  	s3 =	sadd.s32 s3, s9;
	s6 =	sadd.s32 @!p0 $0x88, s6;
	s7 =	simm.s32 @p2 $0x1082  }
0x22: {  	[simem:s7], [sflag:s8] =	dma.local @!p0 [hbm:s6], $0xF7A  }
0x23: {  	s9 =	sor.u32 $0xD0000000, s2;
	s6 =	simm.s32 $0x108;
	_ =	swait.ge @!p0 [sflag:s8], $0x0  }
0x24: {  	s3 =	sadd.s32 $0x88, s3;
	s6 =	simm.s32 @!p1 $0x1082;
	[sflag:s4] =	ssyncset.s32 $0xFFFFF086  }
0x25: {  	[simem:s6], [sflag:s4] =	dma.local [hbm:s3], $0xF7A  }
0x26: {  	[smem:$0x3F9F] =	sst s1;
	(tag) =	ssettag s2;
	_ =	strace s9  }
0x27: {  	s1 =	sld [smem:$0x3FAF]  }
0x28: {  	s2 =	sld [smem:$0x3FB0]  }
0x29: {  	s4 =	sld [smem:$0x3FB2]  }
0x2a: {  	p0 =	seq.s32 s5, $0x0;
	s5 =	sld [smem:$0x3FB3]  }
0x2b: {  	s6 =	sld [smem:$0x3FB4]  }
0x2c: {  	s7 =	sld [smem:$0x3FB5]  }
0x2d: {  	s3 =	simm.s32 $0x108;
	s8 =	sld [smem:$0x3FB6]  }
0x2e: {  	s3 =	simm.s32 @!p0 $0x1082;
	s9 =	sld [smem:$0x3FB7]  }
0x2f: {  	lr =	sadd.s32 s0, s3;
	s0 =	sld [smem:$0x3FAE]  }
0x30: {  	s3 =	sld [smem:$0x3FB1]  }
0x31: {  	[smem:$0x3FBA] =	sst s10  }
0x32: {  	s10 =	sld [smem:$0x3FB8];
	_ =	sdelay $0x3  }
0x33: {  	p0 =	seq.s32 s10, $0x1;
	s10 =	sld [smem:$0x3FBA];
	_ =	sdelay $0x3  }
0x34: {  	[smem:$0x3FBA] =	sst s10  }
0x35: {  	s10 =	sld [smem:$0x3FB9];
	_ =	sdelay $0x3  }
0x36: {  	p1 =	seq.s32 s10, $0x1;
	s10 =	sld [smem:$0x3FBA];
	_ =	sdelay $0x3  }
0x37: {  	[smem:$0x3FBA] =	sst s10  }
0x38: {  	s10 =	sld [smem:$0x3FBB]  }
0x39: {  	_ = 	snop;
	(pc) =	sbr.ind lr, $3  }
0x3a: {  	_ = 	snop  }
0x3b: {  	_ = 	snop  }
0x3c: {  	p2 =	seq.s32 s10, $0x1;
	s10 =	sld [smem:$0x3FBA]  }
0x3d: {  	_ =	shalt  }
0x3e: {  	_ =	shalt  }
0x3f: {  	_ =	shalt  }
0x40: {  	_ =	shalt  }
0x41: {  	_ =	shalt  }
0x42: {  	_ =	shalt  }
0x43: {  	_ =	shalt  }
0x44: {  	_ =	shalt  }
0x45: {  	_ =	shalt  }
0x46: {  	_ =	shalt  }
0x47: {  	_ =	shalt  }
0x48: {  	_ =	shalt  }
0x49: {  	_ =	shalt  }
0x4a: {  	_ =	shalt  }
0x4b: {  	_ =	shalt  }
0x4c: {  	_ =	shalt  }
0x4d: {  	_ =	shalt  }
0x4e: {  	_ =	shalt  }
0x4f: {  	_ =	shalt  }
0x50: {  	_ =	shalt  }
0x51: {  	_ =	shalt  }
0x52: {  	_ =	shalt  }
0x53: {  	_ =	shalt  }
0x54: {  	_ =	shalt  }
0x55: {  	_ =	shalt  }
0x56: {  	_ =	shalt  }
0x57: {  	_ =	shalt  }
0x58: {  	_ =	shalt  }
0x59: {  	_ =	shalt  }
0x5a: {  	_ =	shalt  }
0x5b: {  	_ =	shalt  }
0x5c: {  	_ =	shalt  }
0x5d: {  	_ =	shalt  }
0x5e: {  	_ =	shalt  }
0x5f: {  	_ =	shalt  }
0x60: {  	_ =	shalt  }
0x61: {  	_ =	shalt  }
0x62: {  	_ =	shalt  }
0x63: {  	_ =	shalt  }
0x64: {  	_ =	shalt  }
0x65: {  	_ =	shalt  }
0x66: {  	_ =	shalt  }
0x67: {  	_ =	shalt  }
0x68: {  	_ =	shalt  }
0x69: {  	_ =	shalt  }
0x6a: {  	_ =	shalt  }
0x6b: {  	_ =	shalt  }
0x6c: {  	_ =	shalt  }
0x6d: {  	_ =	shalt  }
0x6e: {  	_ =	shalt  }
0x6f: {  	_ =	shalt  }
0x70: {  	_ =	shalt  }
0x71: {  	_ =	shalt  }
0x72: {  	_ =	shalt  }
0x73: {  	_ =	shalt  }
0x74: {  	_ =	shalt  }
0x75: {  	_ =	shalt  }
0x76: {  	_ =	shalt  }
0x77: {  	_ =	shalt  }
0x78: {  	_ =	shalt  }
0x79: {  	_ =	shalt  }
0x7a: {  	_ =	shalt  }
0x7b: {  	_ =	shalt  }
0x7c: {  	_ =	shalt  }
0x7d: {  	_ =	shalt  }
0x7e: {  	_ =	shalt  }
0x7f: {  	_ =	shalt  }
0x80: {  	_ =	shalt  }
0x81: {  	_ =	shalt  }
0x82: {  	_ =	shalt  }
0x83: {  	_ =	shalt  }
0x84: {  	_ =	shalt  }
0x85: {  	_ =	shalt  }
0x86: {  	_ =	shalt  }
0x87: {  	_ =	shalt  }
.Lfunc_end0:
.L_simem_size_0:
called_computation_lowered:
.L_overlay_start_0:
0x88: {  	s2 =	sld [smem:$0x3FD9]  }
0x89: {  	s3 =	sld [smem:$0x3FFE];
	_ =	sdelay $0x1  }
0x8a: {  	s1 =	srdreg.scid  }
0x8b: {  	s0 =	sand.u32 $0x1, s1  }
0x8c: {  	s17 =	sshll.u32 s0, $0xA;
	s2 =	sadd.s32 s3, s2  }
0x8d: {  	s2 =	sadd.s32 s2, s17  }
0x8e: {  	[smem:$0x3FC6] =	sst s2  }
0x8f: {  	_ = 	snop  }
0x90: {  	s2 =	sld [smem:$0x3FC8]  }
0x91: {  	s18 =	sld [smem:$0x3FD0];
	(tm) =	ssettm $0x1  }
0x92: {  	s4 =	sld [smem:$0x3FFB];
	_ =	sdelay $0x3  }
0x93: {  	_ =	strace s4  }
0x94: {  	s4 =	sld [smem:$0x3FFC];
	_ =	sdelay $0x3  }
0x95: {  	_ =	strace s4  }
0x96: {  	s4 =	sld [smem:$0x3FFD];
	_ =	sdelay $0x3  }
0x97: {  	_ =	strace s4  }
0x98: {  	_ =	strace $0x8FFFFFFF  }
0x99: {  	s19 =	sld [smem:$0x3FDB];
	_ =	sdelay $0x1  }
0x9a: {  	s5 =	simm.s32 $_scs_section_size  }
0x9b: {  	s6 =	simm.s32 $_size__tile_overlayer_lowered;
	s7 =	simm.s32 $_tile_overlayer_lowered  }
0x9c: {  	s22 =	simm.s32 $0x1BFF;
	s21 =	sshll.u32 s7, $0x1;
	s4 =	sadd.s32 s5, s19  }
0x9d: {  	s8 =	simm.s32 $0x0;
	s20 =	sshll.u32 s6, $0x1;
	s6 =	sadd.s32 s21, s4  }
0x9e: {  	[timem:s8], [sflag:s22] =	dma.local [hbm:s6], s20  }
0x9f: {  	_ =	swait.ge [sflag:s22], s20  }
0xa0: {  	s5 =	ssub.s32 $0x0, s20;
	[sflag:s22] =	ssyncset.done $0x0  }
0xa1: {  	[sflag:s22] =	ssyncadd.s32 s5;
	_ =	sdelay $0x1  }
0xa2: {  	s23 =	simm.s32 $0x1B8B  }
0xa3: {  	_ =	swait.ge [sflag:s23], $0x1  }
0xa4: {  	[sflag:s23] =	ssyncset.done $0x0  }
0xa5: {  	s25 =	simm.s32 $0x1B8E;
	s24 =	sld [smem:$0x3FFE];
	[sflag:s23] =	ssyncadd.s32 $0xFFFFFFFF  }
0xa6: {  	s26 =	simm.s32 $execute0_lowered;
	[smem:$0x3FD2] =	sst s25  }
0xa7: {  	s6 =	sshll.u32 s26, $0x1;
	_ =	strace $0x80000046;
	[dreg:$0x1] =	wrdreg $0xFFFFFFFF  }
0xa8: {  	s28 =	simm.s32 $_size_execute0_lowered;
	s4 =	sadd.s32 s4, s6;
	[dreg:$0x0] =	wrdreg $0x0  }
0xa9: {  	s6 =	sshll.u32 s28, $0x1;
	[dreg:$0x2] =	wrdreg s4  }
0xaa: {  	[dreg:$0x3] =	wrdreg s6  }
0xab: {  	[dreg:$0x4] =	wrdreg $0xC0  }
0xac: {  	_ =	task [dreg:s8], $0x5FFFF  }
0xad: {  	[dreg:$0x1] =	wrdreg $0xFFFFFFFF  }
0xae: {  	[dreg:$0x0] =	wrdreg $0x60  }
0xaf: {  	[dreg:$0x2] =	wrdreg s24  }
0xb0: {  	[dreg:$0x3] =	wrdreg s2  }
0xb1: {  	[dreg:$0x4] =	wrdreg s18  }
0xb2: {  	[dreg:$0x5] =	wrdreg $0x9  }
0xb3: {  	_ =	task.clear_ibuf [dreg:s8], $0x6FFFF;
	_ =	strace $0x90000046  }
0xb4: {  	s29 =	simm.s32 $0x9;
	_ =	strace $0x80000048  }
0xb5: {  	_ =	swait.ge [sflag:s29], $0x1  }
0xb6: {  	[sflag:s29] =	ssyncadd.s32 $0xFFFFFFFF  }
0xb7: {  	_ =	strace $0x90000048  }
0xb8: {  	_ =	sfence  }
0xb9: {  	s30 =	sld [smem:$0x0];
	_ =	sdelay $0x2  }
0xba: {  	s31 =	sshll.u32 s1, $0xD;
	s1 =	sshrl.u32 s1, $0x2  }
0xbb: {  	s3 =	sand.u32 $0x4000, s31;
	s1 =	sadd.s32 s1, s30  }
0xbc: {  	s0 =	sor.u32 s3, s0;
	s1 =	sshll.u32 s1, $0x11  }
0xbd: {  	s0 =	sor.u32 s1, s0  }
0xbe: {  	s0 =	sadd.s32 $0x8F2B, s0  }
0xbf: {  	[sflag:s0] =	ssyncadd.remote.s32 $0x1  }
0xc0: {  	_ =	sfence.sel $0xFFFF  }
0xc1: {  	[dreg:$0x0] =	wrdreg $0xFFFFFFFF;
	(pc) =	sbr.abs _section_cstart, $3  }
0xc2: {  	[dreg:$0x1] =	wrdreg $0xFFFFFFFF  }
0xc3: {  	_ =	task.clear_ibuf [dreg:s8], $0x2FFFF;
	_ =	strace $0x9FFFFFFF  }
0xc4: {  	(tm) =	ssettm $0x7FFFFFFF  }
0xc5: {  	_ =	shalt  }
tec
execute0_lowered:
.L_overlay_start_1:
0x0: {  	(tag) =	ssettag $0x1  }
0x1: {  	s0 =	rddreg [dreg:$0x0]  }
0x2: {  	s3 =	rddreg [dreg:$0x1]  }
0x3: {  	s1 =	srdreg.scid;
	s5 =	rddreg [dreg:$0x2]  }
0x4: {  	s19 =	stileid.u32;
	s20 =	rddreg [dreg:$0x3]  }
0x5: {  	s12 =	simm.s32 $0xE0;
	s10 =	simm.s32 $0x680;
	s14 =	simm.s32 $0xE680  }
0x6: {  	s11 =	simm.s32 $0x1;
	s1 =	sand.u32 $0x1, s1;
	s2 =	sshll.u32 s19, $0x1  }
0x7: {  	s23 =	simm.s32 $0x2A0;
	s13 =	simm.s32 $0x15680;
	s9 =	sor.u32 s1, s2  }
0x8: {  	s18 =	simm.s32 $0x380;
	s17 =	simm.s32 $0x460;
	s4 =	smul.u32 $0xC4, s9  }
0x9: {  	p1 =	por $0x0, $0x0;
	s2 =	simm.s32 $0x0;
	s6 =	smul.u32 $0x31000, s9  }
0xa: {  	s1 =	ssub.s32 $0x2, s1;
	[smem:$0x7FF] =	sst s2;
	s7 =	smul.u32 $0x6200, s9  }
0xb: {  	s29 =	sshrl.u32 s1, $0x1;
	p0 =	seq.s32 s9, $0x1F;
	s9 =	simm.s32 $0x7680  }
0xc: {  	_ =	strace $0x80000047;
	s1 =	ssub.s32 s1, s29;
	s4 =	sadd.s32 s0, s4  }
0xd: {  	s0 =	sadd.s32 $0x17BC, s0;
	s24 =	sshrl.u32 s6, $0x3;
	s31 =	smax.u32 s1, $0x1  }
0xe: {  	s25 =	sadd.s32 s5, s7;
	[dreg:$0x4] =	wrdreg s4;
	s1 =	sadd.s32 $0xFFFFFFFF, s31  }
0xf: {  	s6 =	sadd.s32 $0xC3200, s5;
	[dreg:$0x5] =	wrdreg s0;
	p2 =	sne.s32 s1, $0x0  }
.Ltmp0:
0x10: {  	s4 =	sadd.s32 s5, s24;
	[dreg:$0x6] =	wrdreg s25;
	(pc) =	sbr.rel @!p2 .LBB2_1-.Ltmp0, $4  }
0x11: {  	s24 =	simm.s32 $0x1C0;
	s26 =	sadd.s32 $0xE00, s4;
	s16 =	rddreg [dreg:$0x5]  }
0x12: {  	s5 =	simm.s32 $0x2;
	s28 =	sadd.s32 $0x1C00, s4;
	[dreg:$0x7] =	wrdreg s26  }
0x13: {  	s30 =	sadd.s32 $0x2A00, s4;
	s8 =	sadd.s32 $0x3800, s4;
	[dreg:$0x8] =	wrdreg s28  }
0x14: {  	s7 =	sadd.s32 $0x4600, s4;
	s4 =	sadd.s32 $0x5400, s4;
	[dreg:$0x9] =	wrdreg s30  }
0x15: {  	s19 =	simm.s32 @p0 $0x0;
	s20 =	simm.s32 @p0 $0x3  }
0x16: {  	[tilespmem:s19], [sflag:$0x3] =	stream.linear.gather @p0 [hbm4b:s16+s19], $0x570, $0x38;
	[tilespmem:$0x1C680] =	vst v63  }
0x17: {  	_ =	swait.ge @p0 [sflag:s20], $0x570  }
0x18: {  	s21 =	simm.s32 @!p0 $0x0;
	[sflag:s20] =	ssyncset.done @p0 $0x0  }
0x19: {  	s22 =	simm.s32 @!p0 $0x3;
	s0 =	rddreg [dreg:$0x4];
	[sflag:s20] =	ssyncadd.s32 @p0 $0xFFFFFA90  }
0x1a: {  	[tilespmem:s21], [sflag:$0x3] =	stream.linear.gather @!p0 [hbm4b:s0+s21], $0x620, $0x38;
	[tilespmem:$0x1C680] =	vst v63  }
0x1b: {  	_ =	swait.ge @!p0 [sflag:s22], $0x620  }
0x1c: {  	[sflag:s22] =	ssyncset.done @!p0 $0x0  }
0x1d: {  	[sflag:s22] =	ssyncadd.s32 @!p0 $0xFFFFF9E0  }
0x1e: {  	[tilespmem:s10], [sflag:$0x1] =	stream.indirect.gather [hbm4b:s3+s12], $0x80, s2, s12, $0xb8;
	[tilespmem:$0x1C680] =	vst v63  }
0x1f: {  	_ = 	snop  }
0x20: {  	[tilespmem:s9], [sflag:$0x1] =	stream.indirect.gather [hbm4b:s3+s12], $0x80, s12, s12, $0xb8;
	[tilespmem:$0x1C680] =	vst v63  }
0x21: {  	_ = 	snop  }
0x22: {  	[tilespmem:s14], [sflag:$0x1] =	stream.indirect.gather [hbm4b:s3+s12], $0x80, s24, s12, $0xb8;
	[tilespmem:$0x1C680] =	vst v63  }
0x23: {  	_ =	swait.ge [sflag:s11], $0x7000  }
0x24: {  	[sflag:s11] =	ssyncset.done $0x0  }
0x25: {  	s16 =	rddreg [dreg:$0x6];
	[sflag:s11] =	ssyncadd.s32 $0xFFFF9000  }
0x26: {  	[hbm4b:s16+s2] =	stream.linear.scatter [tilespmem:s10], [sflag:$0x2], $0x7000, $0x38;
	[tilespmem:$0x1C680] =	vst v63  }
0x27: {  	_ = 	snop  }
0x28: {  	[tilespmem:s13], [sflag:$0x1] =	stream.indirect.gather [hbm4b:s3+s12], $0x80, s23, s12, $0xb8;
	[tilespmem:$0x1C680] =	vst v63  }
0x29: {  	_ =	swait.ge [sflag:s11], $0x7000  }
0x2a: {  	[sflag:s11] =	ssyncset.done $0x0  }
0x2b: {  	s24 =	rddreg [dreg:$0x7];
	[sflag:s11] =	ssyncadd.s32 $0xFFFF9000  }
0x2c: {  	[hbm4b:s24+s2] =	stream.linear.scatter [tilespmem:s9], [sflag:$0x2], $0x7000, $0x38;
	[tilespmem:$0x1C680] =	vst v63  }
0x2d: {  	_ =	swait.ge [sflag:s5], $0x7000  }
0x2e: {  	[sflag:s5] =	ssyncset.done $0x0  }
0x2f: {  	[sflag:s5] =	ssyncadd.s32 $0xFFFF9000  }
0x30: {  	[tilespmem:s10], [sflag:$0x1] =	stream.indirect.gather [hbm4b:s3+s12], $0x80, s18, s12, $0xb8;
	[tilespmem:$0x1C680] =	vst v63  }
0x31: {  	_ =	swait.ge [sflag:s11], $0x7000  }
0x32: {  	[sflag:s11] =	ssyncset.done $0x0  }
0x33: {  	s25 =	rddreg [dreg:$0x8];
	[sflag:s11] =	ssyncadd.s32 $0xFFFF9000  }
0x34: {  	[hbm4b:s25+s2] =	stream.linear.scatter [tilespmem:s14], [sflag:$0x2], $0x7000, $0x38;
	[tilespmem:$0x1C680] =	vst v63  }
0x35: {  	_ =	swait.ge [sflag:s5], $0x7000  }
0x36: {  	[sflag:s5] =	ssyncset.done $0x0  }
0x37: {  	[sflag:s5] =	ssyncadd.s32 $0xFFFF9000  }
0x38: {  	[tilespmem:s9], [sflag:$0x1] =	stream.indirect.gather [hbm4b:s3+s12], $0x80, s17, s12, $0xb8;
	[tilespmem:$0x1C680] =	vst v63  }
0x39: {  	_ =	swait.ge [sflag:s11], $0x7000  }
0x3a: {  	[sflag:s11] =	ssyncset.done $0x0  }
0x3b: {  	s26 =	rddreg [dreg:$0x9];
	[sflag:s11] =	ssyncadd.s32 $0xFFFF9000  }
0x3c: {  	[hbm4b:s26+s2] =	stream.linear.scatter [tilespmem:s13], [sflag:$0x2], $0x7000, $0x38;
	[tilespmem:$0x1C680] =	vst v63  }
0x3d: {  	_ =	swait.ge [sflag:s5], $0x7000  }
0x3e: {  	s23 =	simm.s32 @p0 $0xE680;
	[sflag:s5] =	ssyncset.done $0x0  }
0x3f: {  	s24 =	simm.s32 @p0 $0x30;
	s25 =	simm.s32 @p0 $0x540;
	[sflag:s5] =	ssyncadd.s32 $0xFFFF9000  }
0x40: {  	[tilespmem:s23], [sflag:$0x1] =	stream.indirect.gather @p0 [hbm4b:s3+s24], $0x80, s25, s24, $0xb8;
	[tilespmem:$0x1C680] =	vst v63  }
0x41: {  	s28 =	simm.s32 @!p0 $0x540;
	s29 =	simm.s32 @!p0 $0xE680;
	s26 =	simm.s32 @!p0 $0xE0  }
0x42: {  	[tilespmem:s29], [sflag:$0x1] =	stream.indirect.gather @!p0 [hbm4b:s3+s26], $0x80, s28, s26, $0xb8;
	[tilespmem:$0x1C680] =	vst v63  }
0x43: {  	_ =	swait.ge [sflag:s11], $0x7000  }
0x44: {  	[sflag:s11] =	ssyncset.done $0x0  }
0x45: {  	[sflag:s11] =	ssyncadd.s32 $0xFFFF9000  }
0x46: {  	[hbm4b:s8+s2] =	stream.linear.scatter [tilespmem:s10], [sflag:$0x2], $0x7000, $0x38;
	[tilespmem:$0x1C680] =	vst v63  }
0x47: {  	_ =	swait.ge [sflag:s11], $0x7000  }
0x48: {  	[sflag:s11] =	ssyncset.done $0x0  }
0x49: {  	s30 =	simm.s32 @p0 $0x1;
	[sflag:s11] =	ssyncadd.s32 $0xFFFF9000  }
0x4a: {  	[hbm4b:s7+s2] =	stream.linear.scatter [tilespmem:s9], [sflag:$0x2], $0x7000, $0x38;
	[tilespmem:$0x1C680] =	vst v63  }
0x4b: {  	_ =	swait.ge @p0 [sflag:s30], $0x1800  }
0x4c: {  	[sflag:s30] =	ssyncset.done @p0 $0x0  }
0x4d: {  	s31 =	simm.s32 @!p0 $0x1;
	[sflag:s30] =	ssyncadd.s32 @p0 $0xFFFFE800  }
0x4e: {  	[hbm4b:s6+s19] =	stream.linear.scatter @p0 [tilespmem:s23], [sflag:$0x2], $0x1800, $0x38;
	[tilespmem:$0x1C680] =	vst v63  }
0x4f: {  	_ =	swait.ge @!p0 [sflag:s31], $0x7000  }
0x50: {  	[sflag:s31] =	ssyncset.done @!p0 $0x0  }
0x51: {  	[sflag:s31] =	ssyncadd.s32 @!p0 $0xFFFF9000  }
0x52: {  	[hbm4b:s4+s21] =	stream.linear.scatter @!p0 [tilespmem:s29], [sflag:$0x2], $0x7000, $0x38;
	[tilespmem:$0x1C680] =	vst v63  }
0x53: {  	_ =	swait.ge [sflag:s5], $0x7000  }
0x54: {  	[sflag:s5] =	ssyncset.done $0x0  }
0x55: {  	[sflag:s5] =	ssyncadd.s32 $0xFFFF9000  }
0x56: {  	_ =	swait.ge [sflag:s5], $0x7000  }
0x57: {  	[sflag:s5] =	ssyncset.done $0x0  }
0x58: {  	[sflag:s5] =	ssyncadd.s32 $0xFFFF9000  }
0x59: {  	_ =	swait.ge [sflag:s5], $0x7000  }
0x5a: {  	s15 =	sadd.s32 $0xFFFFFFFF, s1;
	[sflag:s5] =	ssyncset.done $0x0  }
0x5b: {  	p2 =	sne.s32 s15, $0x0;
	s0 =	simm.s32 @p0 $0x2;
	[sflag:s5] =	ssyncadd.s32 $0xFFFF9000  }
.Ltmp1:
0x5c: {  	_ =	swait.ge @p0 [sflag:s0], $0x1800;
	(pc) =	sbr.rel @!p2 .LBB2_3-.Ltmp1, $4  }
0x5d: {  	[sflag:s0] =	ssyncset.done @p0 $0x0  }
0x5e: {  	s1 =	simm.s32 @!p0 $0x2;
	[sflag:s0] =	ssyncadd.s32 @p0 $0xFFFFE800  }
0x5f: {  	p1 =	por $0x1, $0x1;
	s18 =	simm.s32 $0x1C0;
	_ =	swait.ge @!p0 [sflag:s1], $0x7000  }
0x60: {  	s17 =	simm.s32 $0x2A0;
	s16 =	rddreg [dreg:$0x5];
	[sflag:s1] =	ssyncset.done @!p0 $0x0  }
.LBB2_4:
0x61: {  	[sflag:s1] =	ssyncadd.s32 @!p0 $0xFFFF9000  }
0x62: {  	[tilespmem:s19], [sflag:$0x3] =	stream.linear.gather @p0 [hbm4b:s16+s19], $0x570, $0x38;
	[tilespmem:$0x1C680] =	vst v63  }
0x63: {  	_ =	swait.ge @p0 [sflag:s20], $0x570  }
0x64: {  	[sflag:s20] =	ssyncset.done @p0 $0x0  }
0x65: {  	s16 =	rddreg [dreg:$0x4];
	[sflag:s20] =	ssyncadd.s32 @p0 $0xFFFFFA90  }
0x66: {  	[tilespmem:s21], [sflag:$0x3] =	stream.linear.gather @!p0 [hbm4b:s16+s21], $0x620, $0x38;
	[tilespmem:$0x1C680] =	vst v63  }
0x67: {  	_ =	swait.ge @!p0 [sflag:s22], $0x620  }
0x68: {  	[sflag:s22] =	ssyncset.done @!p0 $0x0  }
0x69: {  	[sflag:s22] =	ssyncadd.s32 @!p0 $0xFFFFF9E0  }
0x6a: {  	[tilespmem:s10], [sflag:$0x1] =	stream.indirect.gather [hbm4b:s3+s12], $0x80, s2, s12, $0xb8;
	[tilespmem:$0x1C680] =	vst v63  }
0x6b: {  	_ = 	snop  }
0x6c: {  	[tilespmem:s9], [sflag:$0x1] =	stream.indirect.gather [hbm4b:s3+s12], $0x80, s12, s12, $0xb8;
	[tilespmem:$0x1C680] =	vst v63  }
0x6d: {  	_ = 	snop  }
0x6e: {  	[tilespmem:s14], [sflag:$0x1] =	stream.indirect.gather [hbm4b:s3+s12], $0x80, s18, s12, $0xb8;
	[tilespmem:$0x1C680] =	vst v63  }
0x6f: {  	_ =	swait.ge [sflag:s11], $0x7000  }
0x70: {  	[sflag:s11] =	ssyncset.done $0x0  }
0x71: {  	s16 =	rddreg [dreg:$0x6];
	[sflag:s11] =	ssyncadd.s32 $0xFFFF9000  }
0x72: {  	[hbm4b:s16+s2] =	stream.linear.scatter [tilespmem:s10], [sflag:$0x2], $0x7000, $0x38;
	[tilespmem:$0x1C680] =	vst v63  }
0x73: {  	_ = 	snop  }
0x74: {  	[tilespmem:s13], [sflag:$0x1] =	stream.indirect.gather [hbm4b:s3+s12], $0x80, s17, s12, $0xb8;
	[tilespmem:$0x1C680] =	vst v63  }
0x75: {  	_ =	swait.ge [sflag:s11], $0x7000  }
0x76: {  	[sflag:s11] =	ssyncset.done $0x0  }
0x77: {  	s16 =	rddreg [dreg:$0x7];
	[sflag:s11] =	ssyncadd.s32 $0xFFFF9000  }
0x78: {  	[hbm4b:s16+s2] =	stream.linear.scatter [tilespmem:s9], [sflag:$0x2], $0x7000, $0x38;
	[tilespmem:$0x1C680] =	vst v63  }
0x79: {  	_ =	swait.ge [sflag:s5], $0x7000  }
0x7a: {  	[sflag:s5] =	ssyncset.done $0x0  }
0x7b: {  	s16 =	simm.s32 $0x380;
	[sflag:s5] =	ssyncadd.s32 $0xFFFF9000  }
0x7c: {  	[tilespmem:s10], [sflag:$0x1] =	stream.indirect.gather [hbm4b:s3+s12], $0x80, s16, s12, $0xb8;
	[tilespmem:$0x1C680] =	vst v63  }
0x7d: {  	_ =	swait.ge [sflag:s11], $0x7000  }
0x7e: {  	[sflag:s11] =	ssyncset.done $0x0  }
0x7f: {  	s16 =	rddreg [dreg:$0x8];
	[sflag:s11] =	ssyncadd.s32 $0xFFFF9000  }
0x80: {  	[hbm4b:s16+s2] =	stream.linear.scatter [tilespmem:s14], [sflag:$0x2], $0x7000, $0x38;
	[tilespmem:$0x1C680] =	vst v63  }
0x81: {  	_ =	swait.ge [sflag:s5], $0x7000  }
0x82: {  	[sflag:s5] =	ssyncset.done $0x0  }
0x83: {  	s16 =	simm.s32 $0x460;
	[sflag:s5] =	ssyncadd.s32 $0xFFFF9000  }
0x84: {  	[tilespmem:s9], [sflag:$0x1] =	stream.indirect.gather [hbm4b:s3+s12], $0x80, s16, s12, $0xb8;
	[tilespmem:$0x1C680] =	vst v63  }
0x85: {  	_ =	swait.ge [sflag:s11], $0x7000  }
0x86: {  	[sflag:s11] =	ssyncset.done $0x0  }
0x87: {  	s16 =	rddreg [dreg:$0x9];
	[sflag:s11] =	ssyncadd.s32 $0xFFFF9000  }
0x88: {  	[hbm4b:s16+s2] =	stream.linear.scatter [tilespmem:s13], [sflag:$0x2], $0x7000, $0x38;
	[tilespmem:$0x1C680] =	vst v63  }
0x89: {  	_ =	swait.ge [sflag:s5], $0x7000  }
0x8a: {  	[sflag:s5] =	ssyncset.done $0x0  }
0x8b: {  	[sflag:s5] =	ssyncadd.s32 $0xFFFF9000  }
0x8c: {  	[tilespmem:s23], [sflag:$0x1] =	stream.indirect.gather @p0 [hbm4b:s3+s24], $0x80, s25, s24, $0xb8;
	[tilespmem:$0x1C680] =	vst v63  }
0x8d: {  	_ = 	snop  }
0x8e: {  	[tilespmem:s29], [sflag:$0x1] =	stream.indirect.gather @!p0 [hbm4b:s3+s26], $0x80, s28, s26, $0xb8;
	[tilespmem:$0x1C680] =	vst v63  }
0x8f: {  	_ =	swait.ge [sflag:s11], $0x7000  }
0x90: {  	[sflag:s11] =	ssyncset.done $0x0  }
0x91: {  	[sflag:s11] =	ssyncadd.s32 $0xFFFF9000  }
0x92: {  	[hbm4b:s8+s2] =	stream.linear.scatter [tilespmem:s10], [sflag:$0x2], $0x7000, $0x38;
	[tilespmem:$0x1C680] =	vst v63  }
0x93: {  	_ =	swait.ge [sflag:s11], $0x7000  }
0x94: {  	[sflag:s11] =	ssyncset.done $0x0  }
0x95: {  	[sflag:s11] =	ssyncadd.s32 $0xFFFF9000  }
0x96: {  	[hbm4b:s7+s2] =	stream.linear.scatter [tilespmem:s9], [sflag:$0x2], $0x7000, $0x38;
	[tilespmem:$0x1C680] =	vst v63  }
0x97: {  	_ =	swait.ge @p0 [sflag:s30], $0x1800  }
0x98: {  	[sflag:s30] =	ssyncset.done @p0 $0x0  }
0x99: {  	[sflag:s30] =	ssyncadd.s32 @p0 $0xFFFFE800  }
0x9a: {  	[hbm4b:s6+s19] =	stream.linear.scatter @p0 [tilespmem:s23], [sflag:$0x2], $0x1800, $0x38;
	[tilespmem:$0x1C680] =	vst v63  }
0x9b: {  	_ =	swait.ge @!p0 [sflag:s31], $0x7000  }
0x9c: {  	[sflag:s31] =	ssyncset.done @!p0 $0x0  }
0x9d: {  	[sflag:s31] =	ssyncadd.s32 @!p0 $0xFFFF9000  }
0x9e: {  	[hbm4b:s4+s21] =	stream.linear.scatter @!p0 [tilespmem:s29], [sflag:$0x2], $0x7000, $0x38;
	[tilespmem:$0x1C680] =	vst v63  }
0x9f: {  	_ =	swait.ge [sflag:s5], $0x7000  }
0xa0: {  	[sflag:s5] =	ssyncset.done $0x0  }
0xa1: {  	[sflag:s5] =	ssyncadd.s32 $0xFFFF9000  }
0xa2: {  	_ =	swait.ge [sflag:s5], $0x7000  }
0xa3: {  	[sflag:s5] =	ssyncset.done $0x0  }
0xa4: {  	[sflag:s5] =	ssyncadd.s32 $0xFFFF9000  }
0xa5: {  	_ =	swait.ge [sflag:s5], $0x7000  }
0xa6: {  	s15 =	sadd.s32 $0xFFFFFFFF, s15;
	[sflag:s5] =	ssyncset.done $0x0  }
0xa7: {  	p2 =	sne.s32 s15, $0x0;
	[sflag:s5] =	ssyncadd.s32 $0xFFFF9000  }
.Ltmp2:
0xa8: {  	_ =	swait.ge @p0 [sflag:s0], $0x1800;
	(pc) =	sbr.rel @p2 .LBB2_4-.Ltmp2, $4  }
0xa9: {  	[sflag:s0] =	ssyncset.done @p0 $0x0  }
0xaa: {  	[sflag:s0] =	ssyncadd.s32 @p0 $0xFFFFE800  }
0xab: {  	_ =	swait.ge @!p0 [sflag:s1], $0x7000  }
0xac: {  	s16 =	rddreg [dreg:$0x5];
	[sflag:s1] =	ssyncset.done @!p0 $0x0  }
0xad: {  	s19 =	stileid.u32;
	s20 =	rddreg [dreg:$0x3];
	s17 =	simm.s32 $0x460  }
0xae: {  	s18 =	simm.s32 $0x380;
	s23 =	simm.s32 $0x2A0;
	s24 =	simm.s32 $0x1C0  }
.LBB2_6:
0xaf: {  	p1 =	por p0, !p1  }
0xb0: {  	s0 =	simm.s32 @p0 $0x0;
	[sflag:s1] =	ssyncadd.s32 @!p1 $0xFFFF9000;
	s1 =	simm.s32 @p0 $0x3  }
0xb1: {  	[tilespmem:s0], [sflag:$0x3] =	stream.linear.gather @p0 [hbm4b:s16+s0], $0x570, $0x38;
	[tilespmem:$0x1C680] =	vst v63  }
0xb2: {  	_ =	swait.ge @p0 [sflag:s1], $0x570  }
0xb3: {  	s16 =	simm.s32 @!p0 $0x3;
	[sflag:s1] =	ssyncset.done @p0 $0x0  }
0xb4: {  	s15 =	rddreg [dreg:$0x4];
	[sflag:s1] =	ssyncadd.s32 @p0 $0xFFFFFA90;
	s1 =	simm.s32 @!p0 $0x0  }
0xb5: {  	[tilespmem:s1], [sflag:$0x3] =	stream.linear.gather @!p0 [hbm4b:s15+s1], $0x620, $0x38;
	[tilespmem:$0x1C680] =	vst v63  }
0xb6: {  	_ =	swait.ge @!p0 [sflag:s16], $0x620  }
0xb7: {  	[sflag:s16] =	ssyncset.done @!p0 $0x0  }
0xb8: {  	[sflag:s16] =	ssyncadd.s32 @!p0 $0xFFFFF9E0  }
0xb9: {  	[tilespmem:s10], [sflag:$0x1] =	stream.indirect.gather [hbm4b:s3+s12], $0x80, s2, s12, $0xb8;
	[tilespmem:$0x1C680] =	vst v63  }
0xba: {  	_ = 	snop  }
0xbb: {  	[tilespmem:s9], [sflag:$0x1] =	stream.indirect.gather [hbm4b:s3+s12], $0x80, s12, s12, $0xb8;
	[tilespmem:$0x1C680] =	vst v63  }
0xbc: {  	_ = 	snop  }
0xbd: {  	[tilespmem:s14], [sflag:$0x1] =	stream.indirect.gather [hbm4b:s3+s12], $0x80, s24, s12, $0xb8;
	[tilespmem:$0x1C680] =	vst v63  }
0xbe: {  	_ =	swait.ge [sflag:s11], $0x7000  }
0xbf: {  	[sflag:s11] =	ssyncset.done $0x0  }
0xc0: {  	s28 =	rddreg [dreg:$0x6];
	[sflag:s11] =	ssyncadd.s32 $0xFFFF9000  }
0xc1: {  	[hbm4b:s28+s2] =	stream.linear.scatter [tilespmem:s10], [sflag:$0x2], $0x7000, $0x38;
	[tilespmem:$0x1C680] =	vst v63  }
0xc2: {  	_ = 	snop  }
0xc3: {  	[tilespmem:s13], [sflag:$0x1] =	stream.indirect.gather [hbm4b:s3+s12], $0x80, s23, s12, $0xb8;
	[tilespmem:$0x1C680] =	vst v63  }
0xc4: {  	_ =	swait.ge [sflag:s11], $0x7000  }
0xc5: {  	[sflag:s11] =	ssyncset.done $0x0  }
0xc6: {  	s29 =	rddreg [dreg:$0x7];
	[sflag:s11] =	ssyncadd.s32 $0xFFFF9000  }
0xc7: {  	[hbm4b:s29+s2] =	stream.linear.scatter [tilespmem:s9], [sflag:$0x2], $0x7000, $0x38;
	[tilespmem:$0x1C680] =	vst v63  }
0xc8: {  	_ =	swait.ge [sflag:s5], $0x7000  }
0xc9: {  	[sflag:s5] =	ssyncset.done $0x0  }
0xca: {  	[sflag:s5] =	ssyncadd.s32 $0xFFFF9000  }
0xcb: {  	[tilespmem:s10], [sflag:$0x1] =	stream.indirect.gather [hbm4b:s3+s12], $0x80, s18, s12, $0xb8;
	[tilespmem:$0x1C680] =	vst v63  }
0xcc: {  	_ =	swait.ge [sflag:s11], $0x7000  }
0xcd: {  	[sflag:s11] =	ssyncset.done $0x0  }
0xce: {  	s30 =	rddreg [dreg:$0x8];
	[sflag:s11] =	ssyncadd.s32 $0xFFFF9000  }
0xcf: {  	[hbm4b:s30+s2] =	stream.linear.scatter [tilespmem:s14], [sflag:$0x2], $0x7000, $0x38;
	[tilespmem:$0x1C680] =	vst v63  }
0xd0: {  	_ =	swait.ge [sflag:s5], $0x7000  }
0xd1: {  	[sflag:s5] =	ssyncset.done $0x0  }
0xd2: {  	[sflag:s5] =	ssyncadd.s32 $0xFFFF9000  }
0xd3: {  	[tilespmem:s9], [sflag:$0x1] =	stream.indirect.gather [hbm4b:s3+s12], $0x80, s17, s12, $0xb8;
	[tilespmem:$0x1C680] =	vst v63  }
0xd4: {  	_ =	swait.ge [sflag:s11], $0x7000  }
0xd5: {  	[sflag:s11] =	ssyncset.done $0x0  }
0xd6: {  	s31 =	rddreg [dreg:$0x9];
	[sflag:s11] =	ssyncadd.s32 $0xFFFF9000  }
0xd7: {  	[hbm4b:s31+s2] =	stream.linear.scatter [tilespmem:s13], [sflag:$0x2], $0x7000, $0x38;
	[tilespmem:$0x1C680] =	vst v63  }
0xd8: {  	_ =	swait.ge [sflag:s5], $0x7000  }
0xd9: {  	s14 =	simm.s32 @p0 $0x540;
	[sflag:s5] =	ssyncset.done $0x0  }
0xda: {  	s12 =	simm.s32 @p0 $0xE680;
	s13 =	simm.s32 @p0 $0x30;
	[sflag:s5] =	ssyncadd.s32 $0xFFFF9000  }
0xdb: {  	[tilespmem:s12], [sflag:$0x1] =	stream.indirect.gather @p0 [hbm4b:s3+s13], $0x80, s14, s13, $0xb8;
	[tilespmem:$0x1C680] =	vst v63  }
0xdc: {  	s15 =	simm.s32 @!p0 $0xE680;
	s13 =	simm.s32 @!p0 $0xE0;
	s14 =	simm.s32 @!p0 $0x540  }
0xdd: {  	[tilespmem:s15], [sflag:$0x1] =	stream.indirect.gather @!p0 [hbm4b:s3+s13], $0x80, s14, s13, $0xb8;
	[tilespmem:$0x1C680] =	vst v63  }
0xde: {  	_ =	swait.ge [sflag:s11], $0x7000  }
0xdf: {  	[sflag:s11] =	ssyncset.done $0x0  }
0xe0: {  	[sflag:s11] =	ssyncadd.s32 $0xFFFF9000  }
0xe1: {  	[hbm4b:s8+s2] =	stream.linear.scatter [tilespmem:s10], [sflag:$0x2], $0x7000, $0x38;
	[tilespmem:$0x1C680] =	vst v63  }
0xe2: {  	_ =	swait.ge [sflag:s11], $0x7000  }
0xe3: {  	[sflag:s11] =	ssyncset.done $0x0  }
0xe4: {  	s3 =	simm.s32 @p0 $0x1;
	[sflag:s11] =	ssyncadd.s32 $0xFFFF9000  }
0xe5: {  	[hbm4b:s7+s2] =	stream.linear.scatter [tilespmem:s9], [sflag:$0x2], $0x7000, $0x38;
	[tilespmem:$0x1C680] =	vst v63  }
0xe6: {  	_ =	swait.ge @p0 [sflag:s3], $0x1800  }
0xe7: {  	[sflag:s3] =	ssyncset.done @p0 $0x0  }
0xe8: {  	s2 =	simm.s32 @!p0 $0x1;
	[sflag:s3] =	ssyncadd.s32 @p0 $0xFFFFE800  }
0xe9: {  	[hbm4b:s6+s0] =	stream.linear.scatter @p0 [tilespmem:s12], [sflag:$0x2], $0x1800, $0x38;
	[tilespmem:$0x1C680] =	vst v63  }
0xea: {  	_ =	swait.ge @!p0 [sflag:s2], $0x7000  }
0xeb: {  	[sflag:s2] =	ssyncset.done @!p0 $0x0  }
0xec: {  	[sflag:s2] =	ssyncadd.s32 @!p0 $0xFFFF9000  }
0xed: {  	[hbm4b:s4+s1] =	stream.linear.scatter @!p0 [tilespmem:s15], [sflag:$0x2], $0x7000, $0x38;
	[tilespmem:$0x1C680] =	vst v63  }
0xee: {  	_ =	swait.ge [sflag:s5], $0x7000  }
0xef: {  	[sflag:s5] =	ssyncset.done $0x0  }
0xf0: {  	[sflag:s5] =	ssyncadd.s32 $0xFFFF9000  }
0xf1: {  	_ =	swait.ge [sflag:s5], $0x7000  }
0xf2: {  	[sflag:s5] =	ssyncset.done $0x0  }
0xf3: {  	[sflag:s5] =	ssyncadd.s32 $0xFFFF9000  }
0xf4: {  	_ =	swait.ge [sflag:s5], $0x7000  }
0xf5: {  	[sflag:s5] =	ssyncset.done $0x0  }
0xf6: {  	s0 =	simm.s32 @p0 $0x2;
	[sflag:s5] =	ssyncadd.s32 $0xFFFF9000  }
0xf7: {  	_ =	swait.ge @p0 [sflag:s0], $0x1800  }
0xf8: {  	[sflag:s0] =	ssyncset.done @p0 $0x0  }
0xf9: {  	[sflag:s0] =	ssyncadd.s32 @p0 $0xFFFFE800;
	s0 =	simm.s32 @!p0 $0x2  }
0xfa: {  	_ =	swait.ge @!p0 [sflag:s0], $0x7000  }
0xfb: {  	[sflag:s0] =	ssyncset.done @!p0 $0x0  }
0xfc: {  	[sflag:s0] =	ssyncadd.s32 @!p0 $0xFFFF9000  }
0xfd: {  	_ =	sfence.sel $0x180000  }
0xfe: {  	[bflag:$0x0] =	sbarrier.arrive $0xFFFF  }
0xff: {  	p0 =	sne.s32 s19, $0x0;
	_ =	strace $0x90000047  }
0x100: {  	s0 =	sadd.s32 @!p0 $0x100000, s20;
	[bflag:$0x2] =	sbarrier.arrive $0xFFFF  }
0x101: {  	[sflag:s0] =	ssyncadd.tile.s32 @!p0 $0x1;
	_ =	shalt  }
.LBB2_1:
.Ltmp3:
0x102: {  	(pc) =	sbr.rel .LBB2_6-.Ltmp3, $2  }
0x103: {  	_ =	sdelay $0x2  }
0x104: {  	_ = 	snop  }
.LBB2_3:
.Ltmp4:
0x105: {  	(pc) =	sbr.rel .LBB2_6-.Ltmp4, $3  }
0x106: {  	_ =	sdelay $0x1  }
0x107: {  	s19 =	stileid.u32;
	s20 =	rddreg [dreg:$0x3];
	s17 =	simm.s32 $0x460  }
0x108: {  	s18 =	simm.s32 $0x380;
	s23 =	simm.s32 $0x2A0;
	s24 =	simm.s32 $0x1C0  }
.Lfunc_end2:
_tile_overlayer_lowered:
.L_overlay_start_2:
0x109: {  	(tag) =	ssettag $0x2  }
0x10a: {  	s0 =	rddreg [dreg:$0x0];
	s2 =	stileid.u32  }
0x10b: {  	s1 =	rddreg [dreg:$0x1];
	p0 =	sne.s32 s2, $0x0  }
0x10c: {  	s3 =	rddreg [dreg:$0x2];
	[bflag:$0x3] =	sbarrier.arrive $0xFFFF;
	s2 =	simm.s32 @!p0 $0x1C03  }
0x10d: {  	[timem:s3], [sflag:s2] =	dma.local @!p0 [hbm:s0], s1  }
0x10e: {  	s0 =	simm.s32 @!p0 $0x3  }
0x10f: {  	_ =	swait.ge @!p0 [sflag:s0], s1  }
0x110: {  	s1 =	ssub.s32 @!p0 $0x0, s1;
	[sflag:s0] =	ssyncset.done @!p0 $0x0  }
0x111: {  	[sflag:s0] =	ssyncadd.s32 @!p0 s1  }
0x112: {  	[bflag:$0x3] =	sbarrier.arrive $0xFFFF  }
0x113: {  	_ =	shalt  }

</sc_bundles>
